<compile_context>
chip_gen: v7x
topology: tpu7x:2x2x1
jax: 0.10.2.dev20260603
libtpu: 0.0.44.dev20260713+nightly
codegen_flags: <defaults>
</compile_context>

<pallas_src>
import jax
import jax.numpy as jnp
from jax import lax
from jax.experimental import pallas as pl
from jax.experimental.pallas import tpu as pltpu
from jax.experimental.pallas import tpu_sc as plsc

F32 = jnp.float32
BF16 = jnp.bfloat16
I32 = jnp.int32

T = 2048
D = 768
E = 16
I = 512
G = 4
TOPK_G = 2
K = 2
BT = 256
NB = (T * K) // BT + E
RS = 1.0

NC, NS = 2, 16
NW = NC * NS
TPW = T // NW


def _sigmoid(x):
    return 1.0 / (1.0 + jnp.exp(-x))


def _silu(x):
    return x * _sigmoid(x)


def _gate_body(x_ref, gw_ref, gb_ref, pos0_ref, pos1_ref, w0_ref, w1_ref,
               be_ref, nb_ref):
    x = x_ref[...]
    logits_t = lax.dot_general(gw_ref[...], x, (((1,), (1,)), ((), ())),
                               preferred_element_type=F32)
    st = _sigmoid(logits_t)
    s = st + gb_ref[...]

    erow = lax.broadcasted_iota(I32, (E, T), 0)

    gsc = []
    for g in range(G):
        rows = [s[g * 4 + j:g * 4 + j + 1, :] for j in range(4)]
        best = rows[0] + rows[1]
        for a in range(4):
            for b in range(a + 1, 4):
                if (a, b) != (0, 1):
                    best = jnp.maximum(best, rows[a] + rows[b])
        gsc.append(best)

    keep16 = jnp.zeros((E, T), dtype=jnp.bool_)
    for g in range(G):
        rank = jnp.zeros((1, T), dtype=I32)
        for g2 in range(G):
            if g2 == g:
                continue
            beats = (gsc[g2] > gsc[g]) | ((gsc[g2] == gsc[g]) & (g2 < g))
            rank = rank + beats.astype(I32)
        keep16 = keep16 | (((erow // 4) == g) & (rank < TOPK_G))

    sm = jnp.where(keep16, s, -1e30)

    r = jnp.zeros((E, T), dtype=I32)
    for e2 in range(E):
        row = sm[e2:e2 + 1, :]
        beats = (row > sm) | ((row == sm) & (e2 < erow))
        r = r + beats.astype(I32)
    sel = r < K

    wsel = jnp.where(sel, st, 0.0)
    denom = jnp.sum(wsel, axis=0, keepdims=True) + 1e-6
    cw = wsel / denom * RS

    c = sel.astype(F32)
    sh = 1
    while sh < T:
        c = c + jnp.concatenate(
            [jnp.zeros((E, sh), F32), c[:, :T - sh]], axis=1)
        sh *= 2
    rank_t = c - sel.astype(F32)
    counts = c[:, T - 1:T]

    pc = jnp.ceil(counts / BT) * BT
    p = pc
    sh = 1
    while sh < E:
        p = p + jnp.concatenate([jnp.zeros((sh, 1), F32), p[:E - sh, :]],
                                axis=0)
        sh *= 2
    po = p - pc

    pos16 = po + rank_t

    is0 = sel & (r == 0)
    is1 = sel & (r == 1)
    pos0 = jnp.sum(jnp.where(is0, pos16, 0.0), axis=0, keepdims=True)
    pos1 = jnp.sum(jnp.where(is1, pos16, 0.0), axis=0, keepdims=True)
    w0 = jnp.sum(jnp.where(is0, cw, 0.0), axis=0, keepdims=True)
    w1 = jnp.sum(jnp.where(is1, cw, 0.0), axis=0, keepdims=True)
    pos0_ref[...] = jnp.transpose(pos0).astype(I32)
    pos1_ref[...] = jnp.transpose(pos1).astype(I32)
    w0_ref[...] = jnp.transpose(w0)
    w1_ref[...] = jnp.transpose(w1)

    bi = (lax.broadcasted_iota(I32, (NB, E), 0) * BT).astype(F32)
    cmp = (jnp.broadcast_to(jnp.transpose(po), (NB, E)) <= bi).astype(I32)
    be = jnp.sum(cmp, axis=1, keepdims=True) - 1
    be_ref[...] = jnp.clip(be, 0, E - 1)
    total_pad = jnp.sum(pc, axis=0, keepdims=True)
    nb_ref[...] = (total_pad / BT).astype(I32)


def _gating(xf, gate_weight, gate_bias):
    out_shapes = (
        jax.ShapeDtypeStruct((T, 1), I32),
        jax.ShapeDtypeStruct((T, 1), I32),
        jax.ShapeDtypeStruct((T, 1), F32),
        jax.ShapeDtypeStruct((T, 1), F32),
        jax.ShapeDtypeStruct((NB, 1), I32),
        jax.ShapeDtypeStruct((1, 1), I32),
    )
    return pl.pallas_call(
        _gate_body,
        out_shape=out_shapes,
    )(xf, gate_weight, gate_bias.reshape(E, 1))


def _sc_scatter_body(xf_hbm, pos0_hbm, pos1_hbm, xg_hbm, idx0_v, idx1_v,
                     rows_v, sem):
    wid = lax.axis_index("s") * NC + lax.axis_index("c")
    base = wid * TPW
    pltpu.sync_copy(pos0_hbm.at[pl.ds(base, TPW)], idx0_v)
    pltpu.sync_copy(pos1_hbm.at[pl.ds(base, TPW)], idx1_v)
    pltpu.sync_copy(xf_hbm.at[pl.ds(base, TPW)], rows_v)
    cp0 = pltpu.async_copy(rows_v, xg_hbm.at[idx0_v], sem)
    cp1 = pltpu.async_copy(rows_v, xg_hbm.at[idx1_v], sem)
    cp0.wait()
    cp1.wait()


def _sc_scatter(xf, pos0, pos1):
    mesh = plsc.VectorSubcoreMesh(core_axis_name="c", subcore_axis_name="s",
                                  num_cores=NC, num_subcores=NS)
    return pl.kernel(
        _sc_scatter_body,
        out_type=jax.ShapeDtypeStruct((NB * BT, D), F32),
        mesh=mesh,
        scratch_types=[
            pltpu.VMEM((TPW,), I32),
            pltpu.VMEM((TPW,), I32),
            pltpu.VMEM((TPW, D), F32),
            pltpu.SemaphoreType.DMA,
        ],
    )(xf, pos0, pos1)


def _w_copies(w1_ref, w3_ref, w2_ref, e, s, w1s, w3s, w2s, sem1, sem3, sem2):
    return (
        pltpu.make_async_copy(w1_ref.at[e], w1s.at[s], sem1.at[s]),
        pltpu.make_async_copy(w3_ref.at[e], w3s.at[s], sem3.at[s]),
        pltpu.make_async_copy(w2_ref.at[e], w2s.at[s], sem2.at[s]),
    )


def _ffn_body(be_ref, nb_ref, xg_ref, w1_ref, w3_ref, w2_ref, out_ref,
              w1s, w3s, w2s, w1b, w3b, w2b, cnt_ref, sem1, sem3, sem2):
    b = pl.program_id(0)
    prev = be_ref[jnp.maximum(b - 1, 0)]
    changed = jnp.logical_or(b == 0, be_ref[b] != prev)

    @pl.when(b == 0)
    def _():
        cnt_ref[0] = 0
        for cp in _w_copies(w1_ref, w3_ref, w2_ref, be_ref[0], 0,
                            w1s, w3s, w2s, sem1, sem3, sem2):
            cp.start()

    @pl.when(jnp.logical_and(b > 0, changed))
    def _():
        cnt_ref[0] = cnt_ref[0] + 1

    slot = lax.rem(cnt_ref[0], 2)

    @pl.when(changed)
    def _():
        for cp in _w_copies(w1_ref, w3_ref, w2_ref, be_ref[b], slot,
                            w1s, w3s, w2s, sem1, sem3, sem2):
            cp.wait()
        w1b[...] = w1s[slot].astype(BF16)
        w3b[...] = w3s[slot].astype(BF16)
        w2b[...] = w2s[slot].astype(BF16)

    nxt = be_ref[jnp.minimum(b + 1, NB - 1)]
    do_pf = jnp.logical_and(b + 1 < NB, nxt != be_ref[b])

    @pl.when(do_pf)
    def _():
        for cp in _w_copies(w1_ref, w3_ref, w2_ref, nxt, 1 - slot,
                            w1s, w3s, w2s, sem1, sem3, sem2):
            cp.start()

    @pl.when(b < nb_ref[0])
    def _():
        x = xg_ref[...].astype(BF16)
        h1 = lax.dot_general(x, w1b[...], (((1,), (1,)), ((), ())),
                             preferred_element_type=F32)
        h3 = lax.dot_general(x, w3b[...], (((1,), (1,)), ((), ())),
                             preferred_element_type=F32)
        g = (_silu(h1) * h3).astype(BF16)
        out_ref[...] = lax.dot_general(g, w2b[...],
                                       (((1,), (1,)), ((), ())),
                                       preferred_element_type=F32)


def _grouped_ffn(xg, be, nb, W1, W2, W3):
    grid_spec = pltpu.PrefetchScalarGridSpec(
        num_scalar_prefetch=2,
        grid=(NB,),
        in_specs=[
            pl.BlockSpec((BT, D), lambda b, be, nb: (b, 0)),
            pl.BlockSpec(memory_space=pl.ANY),
            pl.BlockSpec(memory_space=pl.ANY),
            pl.BlockSpec(memory_space=pl.ANY),
        ],
        out_specs=pl.BlockSpec((BT, D), lambda b, be, nb: (b, 0)),
        scratch_shapes=[
            pltpu.VMEM((2, I, D), F32),
            pltpu.VMEM((2, I, D), F32),
            pltpu.VMEM((2, D, I), F32),
            pltpu.VMEM((I, D), BF16),
            pltpu.VMEM((I, D), BF16),
            pltpu.VMEM((D, I), BF16),
            pltpu.SMEM((1,), I32),
            pltpu.SemaphoreType.DMA((2,)),
            pltpu.SemaphoreType.DMA((2,)),
            pltpu.SemaphoreType.DMA((2,)),
        ],
    )
    return pl.pallas_call(
        _ffn_body,
        grid_spec=grid_spec,
        out_shape=jax.ShapeDtypeStruct((NB * BT, D), F32),
    )(be, nb, xg, W1, W3, W2)


def _sc_gather_body(yg_hbm, pos0_hbm, pos1_hbm, ya_hbm, yb_hbm, idx0_v,
                    idx1_v, rows0_v, rows1_v, sem0, sem1):
    wid = lax.axis_index("s") * NC + lax.axis_index("c")
    base = wid * TPW
    pltpu.sync_copy(pos0_hbm.at[pl.ds(base, TPW)], idx0_v)
    pltpu.sync_copy(pos1_hbm.at[pl.ds(base, TPW)], idx1_v)
    cp0 = pltpu.async_copy(yg_hbm.at[idx0_v], rows0_v, sem0)
    cp1 = pltpu.async_copy(yg_hbm.at[idx1_v], rows1_v, sem1)
    cp0.wait()
    pltpu.sync_copy(rows0_v, ya_hbm.at[pl.ds(base, TPW)])
    cp1.wait()
    pltpu.sync_copy(rows1_v, yb_hbm.at[pl.ds(base, TPW)])


def _sc_gather(yg, pos0, pos1):
    mesh = plsc.VectorSubcoreMesh(core_axis_name="c", subcore_axis_name="s",
                                  num_cores=NC, num_subcores=NS)
    return pl.kernel(
        _sc_gather_body,
        out_type=(jax.ShapeDtypeStruct((T, D), F32),
                  jax.ShapeDtypeStruct((T, D), F32)),
        mesh=mesh,
        scratch_types=[
            pltpu.VMEM((TPW,), I32),
            pltpu.VMEM((TPW,), I32),
            pltpu.VMEM((TPW, D), F32),
            pltpu.VMEM((TPW, D), F32),
            pltpu.SemaphoreType.DMA,
            pltpu.SemaphoreType.DMA,
        ],
    )(yg, pos0, pos1)


def _shared_body(x_ref, sw1_ref, sw3_ref, sw2_ref, ya_ref, yb_ref, w0_ref,
                 w1_ref, out_ref, sw1b_ref, sw3b_ref, sw2b_ref):
    @pl.when(pl.program_id(0) == 0)
    def _():
        sw1b_ref[...] = sw1_ref[...].astype(BF16)
        sw3b_ref[...] = sw3_ref[...].astype(BF16)
        sw2b_ref[...] = sw2_ref[...].astype(BF16)

    x = x_ref[...].astype(BF16)
    h1 = lax.dot_general(x, sw1b_ref[...], (((1,), (1,)), ((), ())),
                         preferred_element_type=F32)
    h3 = lax.dot_general(x, sw3b_ref[...], (((1,), (1,)), ((), ())),
                         preferred_element_type=F32)
    g = (_silu(h1) * h3).astype(BF16)
    z = lax.dot_general(g, sw2b_ref[...], (((1,), (1,)), ((), ())),
                        preferred_element_type=F32)
    out_ref[...] = (z + w0_ref[...] * ya_ref[...]
                    + w1_ref[...] * yb_ref[...])


def _shared_combine(xf, sw1, sw2, sw3, ya, yb, w0, w1):
    BS = 256
    nblk = T // BS
    return pl.pallas_call(
        _shared_body,
        grid=(nblk,),
        in_specs=[
            pl.BlockSpec((BS, D), lambda b: (b, 0)),
            pl.BlockSpec(sw1.shape, lambda b: (0, 0)),
            pl.BlockSpec(sw3.shape, lambda b: (0, 0)),
            pl.BlockSpec(sw2.shape, lambda b: (0, 0)),
            pl.BlockSpec((BS, D), lambda b: (b, 0)),
            pl.BlockSpec((BS, D), lambda b: (b, 0)),
            pl.BlockSpec((BS, 1), lambda b: (b, 0)),
            pl.BlockSpec((BS, 1), lambda b: (b, 0)),
        ],
        out_specs=pl.BlockSpec((BS, D), lambda b: (b, 0)),
        out_shape=jax.ShapeDtypeStruct((T, D), F32),
        scratch_shapes=[
            pltpu.VMEM(sw1.shape, BF16),
            pltpu.VMEM(sw3.shape, BF16),
            pltpu.VMEM(sw2.shape, BF16),
        ],
    )(xf, sw1, sw3, sw2, ya, yb, w0, w1)


@jax.jit
def kernel(x, gate_weight, gate_bias, W1, W2, W3, sw1, sw2, sw3):
    Bb, Ss, Dd = x.shape
    xf = x.reshape(T, D)

    pos0, pos1, w0, w1, be, nb = _gating(xf, gate_weight, gate_bias)
    pos0v = pos0.reshape(T)
    pos1v = pos1.reshape(T)
    bev = be.reshape(NB)
    nbv = nb.reshape(1)

    xg = _sc_scatter(xf, pos0v, pos1v)
    yg = _grouped_ffn(xg, bev, nbv, W1, W2, W3)
    ya, yb = _sc_gather(yg, pos0v, pos1v)
    out = _shared_combine(xf, sw1, sw2, sw3, ya, yb, w0, w1)
    return out.reshape(Bb, Ss, Dd)

# --- scband reference (transcript-rebuilt; emitter-appended) ---
"""Pipeline reference for scband-mo-e-87540023427082 (READ-ONLY COPY).

The authoritative reference and input builder live on the scoring server;
editing this copy changes nothing except your own understanding.
"""

import jax, jax.numpy as jnp
import numpy as np

DIM = 768
MOE_INTER = 512
N_EXPERTS = 16
TOP_K = 2
N_GROUPS = 4
TOPK_GROUPS = 2
ROUTE_SCALE = 1.0
N_SHARED = 1
B, S = 1, 2048


def silu(x):
    return x * jax.nn.sigmoid(x)


def setup_inputs(seed: int = 0) -> dict:
    key = jax.random.key(seed)
    ks = jax.random.split(key, 9)
    x = jax.random.normal(ks[0], (B, S, DIM), dtype=jnp.float32)
    gate_weight = jax.random.normal(ks[1], (N_EXPERTS, DIM), dtype=jnp.float32) * 0.02
    gate_bias = jnp.zeros((N_EXPERTS,), dtype=jnp.float32)
    W1 = jax.random.normal(ks[2], (N_EXPERTS, MOE_INTER, DIM), dtype=jnp.float32) * 0.02
    W2 = jax.random.normal(ks[3], (N_EXPERTS, DIM, MOE_INTER), dtype=jnp.float32) * 0.02
    W3 = jax.random.normal(ks[4], (N_EXPERTS, MOE_INTER, DIM), dtype=jnp.float32) * 0.02
    sh_inter = N_SHARED * MOE_INTER
    sw1 = jax.random.normal(ks[5], (sh_inter, DIM), dtype=jnp.float32) * 0.02
    sw2 = jax.random.normal(ks[6], (DIM, sh_inter), dtype=jnp.float32) * 0.02
    sw3 = jax.random.normal(ks[7], (sh_inter, DIM), dtype=jnp.float32) * 0.02
    return {"x": x, "gate_weight": gate_weight, "gate_bias": gate_bias,
            "W1": W1, "W2": W2, "W3": W3, "sw1": sw1, "sw2": sw2, "sw3": sw3}


def _gate(xf, gate_weight, gate_bias):
    # scores_logits = F.linear(x, weight); scores = sigmoid
    logits = xf @ gate_weight.T
    scores = jax.nn.sigmoid(logits)
    s = scores + gate_bias  # use_noaux_tc bias path
    T = xf.shape[0]
    sv = s.reshape(T, N_GROUPS, -1)
    # bias is not None -> group score = sum of top-2 affinities per group
    top2_vals, _ = jax.lax.top_k(sv, 2)
    group_scores = top2_vals.sum(axis=-1)
    _, idx_groups = jax.lax.top_k(group_scores, TOPK_GROUPS)
    keep = jnp.zeros((T, N_GROUPS), dtype=bool).at[jnp.arange(T)[:, None], idx_groups].set(True)
    s_masked = jnp.where(keep[:, :, None], sv, -jnp.inf).reshape(T, N_EXPERTS)
    _, indices = jax.lax.top_k(s_masked, TOP_K)
    weights = jnp.take_along_axis(scores, indices, axis=1)
    weights = weights / (weights.sum(axis=-1, keepdims=True) + 1e-6)
    weights = weights * ROUTE_SCALE
    return weights.astype(xf.dtype), indices


def reference(x, gate_weight, gate_bias, W1, W2, W3, sw1, sw2, sw3):
    Bb, Ss, D = x.shape
    xf = x.reshape(-1, D)
    weights, indices = _gate(xf, gate_weight, gate_bias)
    # routed experts (dense dispatch, mathematically identical to expert loop)
    h1 = jnp.einsum('td,eid->tei', xf, W1)
    h3 = jnp.einsum('td,eid->tei', xf, W3)
    expert_out = jnp.einsum('tei,edi->ted', silu(h1) * h3, W2)
    cw = (jax.nn.one_hot(indices, N_EXPERTS, dtype=xf.dtype) * weights[..., None]).sum(axis=1)
    y = jnp.einsum('te,ted->td', cw, expert_out)
    # shared expert MLP
    z = (silu(xf @ sw1.T) * (xf @ sw3.T)) @ sw2.T
    return (y + z).reshape(Bb, Ss, D)


if False:  # reference __main__ guard neutralized (emitter)
    out = reference(**setup_inputs())
    print(out.shape, out.dtype)

if __name__ == "__main__":
    import jax
    _d = setup_inputs()
    print(jax.jit(kernel)(*tuple(_d.values())))

</pallas_src>

<mosaic_0001>
#map = affine_map<(d0, d1) -> (0, 0)>
#map1 = affine_map<(d0, d1) -> (0)>
module attributes {stable_mosaic.version = 14 : i64} {
  func.func @_sc_gather_body(%arg0: i32, %arg1: i32, %arg2: memref<8192x768xf32, #tpu.memory_space<hbm>>, %arg3: memref<2048xi32, #tpu.memory_space<hbm>>, %arg4: memref<2048xi32, #tpu.memory_space<hbm>>, %arg5: memref<2048x768xf32, #tpu.memory_space<hbm>>, %arg6: memref<2048x768xf32, #tpu.memory_space<hbm>>, %arg7: memref<64xi32, #tpu.memory_space<vmem>>, %arg8: memref<64xi32, #tpu.memory_space<vmem>>, %arg9: memref<64x768xf32, #tpu.memory_space<vmem>>, %arg10: memref<64x768xf32, #tpu.memory_space<vmem>>, %arg11: memref<!tpu.dma_semaphore, #tpu.memory_space<semaphore_mem>>, %arg12: memref<!tpu.dma_semaphore, #tpu.memory_space<semaphore_mem>>) attributes {dimension_semantics = [#tpu.dimension_semantics<core_parallel>, #tpu.dimension_semantics<subcore_parallel>], iteration_bounds = array<i64: 2, 16>, scalar_prefetch = 0 : i64, scratch_operands = 6 : i64, tpu.core_type = #tpu.core_type<sc_vector_subcore>, window_params = [{transform_indices = #map}, {transform_indices = #map1}, {transform_indices = #map1}, {transform_indices = #map}, {transform_indices = #map}]} {
    %mul3A = arith.constant 2 : i32
    %mul3A_0 = arith.muli %arg1, %mul3A : i32
    %add3A = arith.addi %mul3A_0, %arg0 : i32
    %mul3A_1 = arith.constant 64 : i32
    %mul3A_2 = arith.muli %add3A, %mul3A_1 : i32
    "tpu.region"() ({
      %run_scoped3A = tpu.sem_alloc : memref<!tpu.dma_semaphore, #tpu.memory_space<semaphore_mem>>
      %dma_start3A_13 = tpu.memref_slice %arg3[%mul3A_2] : memref<2048xi32, #tpu.memory_space<hbm>> -> memref<64xi32, #tpu.memory_space<hbm>>
      %dma_start3A_14 = tpu.memref_slice %arg3[%mul3A_2] : memref<2048xi32, #tpu.memory_space<hbm>> -> memref<64xi32, #tpu.memory_space<hbm>>
      tpu.enqueue_dma source(%dma_start3A_14 : memref<64xi32, #tpu.memory_space<hbm>>) target(%arg7 : memref<64xi32, #tpu.memory_space<vmem>>) target_semaphore(%run_scoped3A : memref<!tpu.dma_semaphore, #tpu.memory_space<semaphore_mem>>)
      %dma_wait3A_15 = tpu.memref_slice %arg3[%mul3A_2] : memref<2048xi32, #tpu.memory_space<hbm>> -> memref<64xi32, #tpu.memory_space<hbm>>
      %dma_wait3A_16 = tpu.memref_slice %arg3[%mul3A_2] : memref<2048xi32, #tpu.memory_space<hbm>> -> memref<64xi32, #tpu.memory_space<hbm>>
      tpu.wait_dma2 semaphore(%run_scoped3A : memref<!tpu.dma_semaphore, #tpu.memory_space<semaphore_mem>>) src(%dma_wait3A_16 : memref<64xi32, #tpu.memory_space<hbm>>) dst(%arg7 : memref<64xi32, #tpu.memory_space<vmem>>)
      tpu.yield
    }) : () -> ()
    "tpu.region"() ({
      %run_scoped3A = tpu.sem_alloc : memref<!tpu.dma_semaphore, #tpu.memory_space<semaphore_mem>>
      %dma_start3A_13 = tpu.memref_slice %arg4[%mul3A_2] : memref<2048xi32, #tpu.memory_space<hbm>> -> memref<64xi32, #tpu.memory_space<hbm>>
      %dma_start3A_14 = tpu.memref_slice %arg4[%mul3A_2] : memref<2048xi32, #tpu.memory_space<hbm>> -> memref<64xi32, #tpu.memory_space<hbm>>
      tpu.enqueue_dma source(%dma_start3A_14 : memref<64xi32, #tpu.memory_space<hbm>>) target(%arg8 : memref<64xi32, #tpu.memory_space<vmem>>) target_semaphore(%run_scoped3A : memref<!tpu.dma_semaphore, #tpu.memory_space<semaphore_mem>>)
      %dma_wait3A_15 = tpu.memref_slice %arg4[%mul3A_2] : memref<2048xi32, #tpu.memory_space<hbm>> -> memref<64xi32, #tpu.memory_space<hbm>>
      %dma_wait3A_16 = tpu.memref_slice %arg4[%mul3A_2] : memref<2048xi32, #tpu.memory_space<hbm>> -> memref<64xi32, #tpu.memory_space<hbm>>
      tpu.wait_dma2 semaphore(%run_scoped3A : memref<!tpu.dma_semaphore, #tpu.memory_space<semaphore_mem>>) src(%dma_wait3A_16 : memref<64xi32, #tpu.memory_space<hbm>>) dst(%arg8 : memref<64xi32, #tpu.memory_space<vmem>>)
      tpu.yield
    }) : () -> ()
    %dma_start3A = arith.constant 0 : i32
    %dma_start3A_3 = arith.constant 0 : i32
    %dma_start3A_4 = tpu.memref_slice %arg2[%dma_start3A, %dma_start3A_3] : memref<8192x768xf32, #tpu.memory_space<hbm>> -> memref<8192x768xf32, #tpu.memory_space<hbm>>
    tpu.enqueue_indirect_dma source(%dma_start3A_4 : memref<8192x768xf32, #tpu.memory_space<hbm>>) target(%arg9 : memref<64x768xf32, #tpu.memory_space<vmem>>) offsets(%arg7 : memref<64xi32, #tpu.memory_space<vmem>>) semaphore(%arg11 : memref<!tpu.dma_semaphore, #tpu.memory_space<semaphore_mem>>)
    %dma_start3A_5 = arith.constant 0 : i32
    %dma_start3A_6 = arith.constant 0 : i32
    %dma_start3A_7 = tpu.memref_slice %arg2[%dma_start3A_5, %dma_start3A_6] : memref<8192x768xf32, #tpu.memory_space<hbm>> -> memref<8192x768xf32, #tpu.memory_space<hbm>>
    tpu.enqueue_indirect_dma source(%dma_start3A_7 : memref<8192x768xf32, #tpu.memory_space<hbm>>) target(%arg10 : memref<64x768xf32, #tpu.memory_space<vmem>>) offsets(%arg8 : memref<64xi32, #tpu.memory_space<vmem>>) semaphore(%arg12 : memref<!tpu.dma_semaphore, #tpu.memory_space<semaphore_mem>>)
    %dma_wait3A = arith.constant 0 : i32
    %dma_wait3A_8 = arith.constant 0 : i32
    %dma_wait3A_9 = tpu.memref_slice %arg2[%dma_wait3A, %dma_wait3A_8] : memref<8192x768xf32, #tpu.memory_space<hbm>> -> memref<8192x768xf32, #tpu.memory_space<hbm>>
    tpu.wait_indirect_dma semaphore(%arg11 : memref<!tpu.dma_semaphore, #tpu.memory_space<semaphore_mem>>) src(%dma_wait3A_9 : memref<8192x768xf32, #tpu.memory_space<hbm>>) dst(%arg9 : memref<64x768xf32, #tpu.memory_space<vmem>>)
    "tpu.region"() ({
      %run_scoped3A = tpu.sem_alloc : memref<!tpu.dma_semaphore, #tpu.memory_space<semaphore_mem>>
      %dma_start3A_13 = arith.constant 0 : i32
      %dma_start3A_14 = tpu.memref_slice %arg5[%mul3A_2, %dma_start3A_13] : memref<2048x768xf32, #tpu.memory_space<hbm>> -> memref<64x768xf32, #tpu.memory_space<hbm>>
      %dma_start3A_15 = arith.constant 0 : i32
      %dma_start3A_16 = tpu.memref_slice %arg5[%mul3A_2, %dma_start3A_15] : memref<2048x768xf32, #tpu.memory_space<hbm>> -> memref<64x768xf32, #tpu.memory_space<hbm>>
      tpu.enqueue_dma source(%arg9 : memref<64x768xf32, #tpu.memory_space<vmem>>) target(%dma_start3A_16 : memref<64x768xf32, #tpu.memory_space<hbm>>) target_semaphore(%run_scoped3A : memref<!tpu.dma_semaphore, #tpu.memory_space<semaphore_mem>>)
      %dma_wait3A_17 = arith.constant 0 : i32
      %dma_wait3A_18 = tpu.memref_slice %arg5[%mul3A_2, %dma_wait3A_17] : memref<2048x768xf32, #tpu.memory_space<hbm>> -> memref<64x768xf32, #tpu.memory_space<hbm>>
      %dma_wait3A_19 = arith.constant 0 : i32
      %dma_wait3A_20 = tpu.memref_slice %arg5[%mul3A_2, %dma_wait3A_19] : memref<2048x768xf32, #tpu.memory_space<hbm>> -> memref<64x768xf32, #tpu.memory_space<hbm>>
      tpu.wait_dma2 semaphore(%run_scoped3A : memref<!tpu.dma_semaphore, #tpu.memory_space<semaphore_mem>>) src(%arg9 : memref<64x768xf32, #tpu.memory_space<vmem>>) dst(%dma_wait3A_20 : memref<64x768xf32, #tpu.memory_space<hbm>>)
      tpu.yield
    }) : () -> ()
    %dma_wait3A_10 = arith.constant 0 : i32
    %dma_wait3A_11 = arith.constant 0 : i32
    %dma_wait3A_12 = tpu.memref_slice %arg2[%dma_wait3A_10, %dma_wait3A_11] : memref<8192x768xf32, #tpu.memory_space<hbm>> -> memref<8192x768xf32, #tpu.memory_space<hbm>>
    tpu.wait_indirect_dma semaphore(%arg12 : memref<!tpu.dma_semaphore, #tpu.memory_space<semaphore_mem>>) src(%dma_wait3A_12 : memref<8192x768xf32, #tpu.memory_space<hbm>>) dst(%arg10 : memref<64x768xf32, #tpu.memory_space<vmem>>)
    "tpu.region"() ({
      %run_scoped3A = tpu.sem_alloc : memref<!tpu.dma_semaphore, #tpu.memory_space<semaphore_mem>>
      %dma_start3A_13 = arith.constant 0 : i32
      %dma_start3A_14 = tpu.memref_slice %arg6[%mul3A_2, %dma_start3A_13] : memref<2048x768xf32, #tpu.memory_space<hbm>> -> memref<64x768xf32, #tpu.memory_space<hbm>>
      %dma_start3A_15 = arith.constant 0 : i32
      %dma_start3A_16 = tpu.memref_slice %arg6[%mul3A_2, %dma_start3A_15] : memref<2048x768xf32, #tpu.memory_space<hbm>> -> memref<64x768xf32, #tpu.memory_space<hbm>>
      tpu.enqueue_dma source(%arg10 : memref<64x768xf32, #tpu.memory_space<vmem>>) target(%dma_start3A_16 : memref<64x768xf32, #tpu.memory_space<hbm>>) target_semaphore(%run_scoped3A : memref<!tpu.dma_semaphore, #tpu.memory_space<semaphore_mem>>)
      %dma_wait3A_17 = arith.constant 0 : i32
      %dma_wait3A_18 = tpu.memref_slice %arg6[%mul3A_2, %dma_wait3A_17] : memref<2048x768xf32, #tpu.memory_space<hbm>> -> memref<64x768xf32, #tpu.memory_space<hbm>>
      %dma_wait3A_19 = arith.constant 0 : i32
      %dma_wait3A_20 = tpu.memref_slice %arg6[%mul3A_2, %dma_wait3A_19] : memref<2048x768xf32, #tpu.memory_space<hbm>> -> memref<64x768xf32, #tpu.memory_space<hbm>>
      tpu.wait_dma2 semaphore(%run_scoped3A : memref<!tpu.dma_semaphore, #tpu.memory_space<semaphore_mem>>) src(%arg10 : memref<64x768xf32, #tpu.memory_space<vmem>>) dst(%dma_wait3A_20 : memref<64x768xf32, #tpu.memory_space<hbm>>)
      tpu.yield
    }) : () -> ()
    return
  }
}

#map = affine_map<(d0, d1) -> (0, 0)>
#map1 = affine_map<(d0, d1) -> (0)>
module attributes {stable_mosaic.version = 14 : i64} {
  func.func @_sc_scatter_body(%arg0: i32, %arg1: i32, %arg2: memref<2048x768xf32, #tpu.memory_space<hbm>>, %arg3: memref<2048xi32, #tpu.memory_space<hbm>>, %arg4: memref<2048xi32, #tpu.memory_space<hbm>>, %arg5: memref<8192x768xf32, #tpu.memory_space<hbm>>, %arg6: memref<64xi32, #tpu.memory_space<vmem>>, %arg7: memref<64xi32, #tpu.memory_space<vmem>>, %arg8: memref<64x768xf32, #tpu.memory_space<vmem>>, %arg9: memref<!tpu.dma_semaphore, #tpu.memory_space<semaphore_mem>>) attributes {dimension_semantics = [#tpu.dimension_semantics<core_parallel>, #tpu.dimension_semantics<subcore_parallel>], iteration_bounds = array<i64: 2, 16>, scalar_prefetch = 0 : i64, scratch_operands = 4 : i64, tpu.core_type = #tpu.core_type<sc_vector_subcore>, window_params = [{transform_indices = #map}, {transform_indices = #map1}, {transform_indices = #map1}, {transform_indices = #map}]} {
    %mul3A = arith.constant 2 : i32
    %mul3A_0 = arith.muli %arg1, %mul3A : i32
    %add3A = arith.addi %mul3A_0, %arg0 : i32
    %mul3A_1 = arith.constant 64 : i32
    %mul3A_2 = arith.muli %add3A, %mul3A_1 : i32
    "tpu.region"() ({
      %run_scoped3A = tpu.sem_alloc : memref<!tpu.dma_semaphore, #tpu.memory_space<semaphore_mem>>
      %dma_start3A_13 = tpu.memref_slice %arg3[%mul3A_2] : memref<2048xi32, #tpu.memory_space<hbm>> -> memref<64xi32, #tpu.memory_space<hbm>>
      %dma_start3A_14 = tpu.memref_slice %arg3[%mul3A_2] : memref<2048xi32, #tpu.memory_space<hbm>> -> memref<64xi32, #tpu.memory_space<hbm>>
      tpu.enqueue_dma source(%dma_start3A_14 : memref<64xi32, #tpu.memory_space<hbm>>) target(%arg6 : memref<64xi32, #tpu.memory_space<vmem>>) target_semaphore(%run_scoped3A : memref<!tpu.dma_semaphore, #tpu.memory_space<semaphore_mem>>)
      %dma_wait3A_15 = tpu.memref_slice %arg3[%mul3A_2] : memref<2048xi32, #tpu.memory_space<hbm>> -> memref<64xi32, #tpu.memory_space<hbm>>
      %dma_wait3A_16 = tpu.memref_slice %arg3[%mul3A_2] : memref<2048xi32, #tpu.memory_space<hbm>> -> memref<64xi32, #tpu.memory_space<hbm>>
      tpu.wait_dma2 semaphore(%run_scoped3A : memref<!tpu.dma_semaphore, #tpu.memory_space<semaphore_mem>>) src(%dma_wait3A_16 : memref<64xi32, #tpu.memory_space<hbm>>) dst(%arg6 : memref<64xi32, #tpu.memory_space<vmem>>)
      tpu.yield
    }) : () -> ()
    "tpu.region"() ({
      %run_scoped3A = tpu.sem_alloc : memref<!tpu.dma_semaphore, #tpu.memory_space<semaphore_mem>>
      %dma_start3A_13 = tpu.memref_slice %arg4[%mul3A_2] : memref<2048xi32, #tpu.memory_space<hbm>> -> memref<64xi32, #tpu.memory_space<hbm>>
      %dma_start3A_14 = tpu.memref_slice %arg4[%mul3A_2] : memref<2048xi32, #tpu.memory_space<hbm>> -> memref<64xi32, #tpu.memory_space<hbm>>
      tpu.enqueue_dma source(%dma_start3A_14 : memref<64xi32, #tpu.memory_space<hbm>>) target(%arg7 : memref<64xi32, #tpu.memory_space<vmem>>) target_semaphore(%run_scoped3A : memref<!tpu.dma_semaphore, #tpu.memory_space<semaphore_mem>>)
      %dma_wait3A_15 = tpu.memref_slice %arg4[%mul3A_2] : memref<2048xi32, #tpu.memory_space<hbm>> -> memref<64xi32, #tpu.memory_space<hbm>>
      %dma_wait3A_16 = tpu.memref_slice %arg4[%mul3A_2] : memref<2048xi32, #tpu.memory_space<hbm>> -> memref<64xi32, #tpu.memory_space<hbm>>
      tpu.wait_dma2 semaphore(%run_scoped3A : memref<!tpu.dma_semaphore, #tpu.memory_space<semaphore_mem>>) src(%dma_wait3A_16 : memref<64xi32, #tpu.memory_space<hbm>>) dst(%arg7 : memref<64xi32, #tpu.memory_space<vmem>>)
      tpu.yield
    }) : () -> ()
    "tpu.region"() ({
      %run_scoped3A = tpu.sem_alloc : memref<!tpu.dma_semaphore, #tpu.memory_space<semaphore_mem>>
      %dma_start3A_13 = arith.constant 0 : i32
      %dma_start3A_14 = tpu.memref_slice %arg2[%mul3A_2, %dma_start3A_13] : memref<2048x768xf32, #tpu.memory_space<hbm>> -> memref<64x768xf32, #tpu.memory_space<hbm>>
      %dma_start3A_15 = arith.constant 0 : i32
      %dma_start3A_16 = tpu.memref_slice %arg2[%mul3A_2, %dma_start3A_15] : memref<2048x768xf32, #tpu.memory_space<hbm>> -> memref<64x768xf32, #tpu.memory_space<hbm>>
      tpu.enqueue_dma source(%dma_start3A_16 : memref<64x768xf32, #tpu.memory_space<hbm>>) target(%arg8 : memref<64x768xf32, #tpu.memory_space<vmem>>) target_semaphore(%run_scoped3A : memref<!tpu.dma_semaphore, #tpu.memory_space<semaphore_mem>>)
      %dma_wait3A_17 = arith.constant 0 : i32
      %dma_wait3A_18 = tpu.memref_slice %arg2[%mul3A_2, %dma_wait3A_17] : memref<2048x768xf32, #tpu.memory_space<hbm>> -> memref<64x768xf32, #tpu.memory_space<hbm>>
      %dma_wait3A_19 = arith.constant 0 : i32
      %dma_wait3A_20 = tpu.memref_slice %arg2[%mul3A_2, %dma_wait3A_19] : memref<2048x768xf32, #tpu.memory_space<hbm>> -> memref<64x768xf32, #tpu.memory_space<hbm>>
      tpu.wait_dma2 semaphore(%run_scoped3A : memref<!tpu.dma_semaphore, #tpu.memory_space<semaphore_mem>>) src(%dma_wait3A_20 : memref<64x768xf32, #tpu.memory_space<hbm>>) dst(%arg8 : memref<64x768xf32, #tpu.memory_space<vmem>>)
      tpu.yield
    }) : () -> ()
    %dma_start3A = arith.constant 0 : i32
    %dma_start3A_3 = arith.constant 0 : i32
    %dma_start3A_4 = tpu.memref_slice %arg5[%dma_start3A, %dma_start3A_3] : memref<8192x768xf32, #tpu.memory_space<hbm>> -> memref<8192x768xf32, #tpu.memory_space<hbm>>
    tpu.enqueue_indirect_dma source(%arg8 : memref<64x768xf32, #tpu.memory_space<vmem>>) target(%dma_start3A_4 : memref<8192x768xf32, #tpu.memory_space<hbm>>) offsets(%arg6 : memref<64xi32, #tpu.memory_space<vmem>>) semaphore(%arg9 : memref<!tpu.dma_semaphore, #tpu.memory_space<semaphore_mem>>)
    %dma_start3A_5 = arith.constant 0 : i32
    %dma_start3A_6 = arith.constant 0 : i32
    %dma_start3A_7 = tpu.memref_slice %arg5[%dma_start3A_5, %dma_start3A_6] : memref<8192x768xf32, #tpu.memory_space<hbm>> -> memref<8192x768xf32, #tpu.memory_space<hbm>>
    tpu.enqueue_indirect_dma source(%arg8 : memref<64x768xf32, #tpu.memory_space<vmem>>) target(%dma_start3A_7 : memref<8192x768xf32, #tpu.memory_space<hbm>>) offsets(%arg7 : memref<64xi32, #tpu.memory_space<vmem>>) semaphore(%arg9 : memref<!tpu.dma_semaphore, #tpu.memory_space<semaphore_mem>>)
    %dma_wait3A = arith.constant 0 : i32
    %dma_wait3A_8 = arith.constant 0 : i32
    %dma_wait3A_9 = tpu.memref_slice %arg5[%dma_wait3A, %dma_wait3A_8] : memref<8192x768xf32, #tpu.memory_space<hbm>> -> memref<8192x768xf32, #tpu.memory_space<hbm>>
    tpu.wait_indirect_dma semaphore(%arg9 : memref<!tpu.dma_semaphore, #tpu.memory_space<semaphore_mem>>) src(%arg8 : memref<64x768xf32, #tpu.memory_space<vmem>>) dst(%dma_wait3A_9 : memref<8192x768xf32, #tpu.memory_space<hbm>>)
    %dma_wait3A_10 = arith.constant 0 : i32
    %dma_wait3A_11 = arith.constant 0 : i32
    %dma_wait3A_12 = tpu.memref_slice %arg5[%dma_wait3A_10, %dma_wait3A_11] : memref<8192x768xf32, #tpu.memory_space<hbm>> -> memref<8192x768xf32, #tpu.memory_space<hbm>>
    tpu.wait_indirect_dma semaphore(%arg9 : memref<!tpu.dma_semaphore, #tpu.memory_space<semaphore_mem>>) src(%arg8 : memref<64x768xf32, #tpu.memory_space<vmem>>) dst(%dma_wait3A_12 : memref<8192x768xf32, #tpu.memory_space<hbm>>)
    return
  }
}

module attributes {stable_mosaic.version = 14 : i64} {
  func.func @_ffn_body(%arg0: i32, %arg1: memref<32xi32, #tpu.memory_space<smem>>, %arg2: memref<1xi32, #tpu.memory_space<smem>>, %arg3: memref<256x768xf32, #tpu.memory_space<vmem>>, %arg4: memref<16x512x768xf32, #tpu.memory_space<any>>, %arg5: memref<16x512x768xf32, #tpu.memory_space<any>>, %arg6: memref<16x768x512xf32, #tpu.memory_space<any>>, %arg7: memref<256x768xf32, #tpu.memory_space<vmem>>, %arg8: memref<2x512x768xf32, #tpu.memory_space<vmem>>, %arg9: memref<2x512x768xf32, #tpu.memory_space<vmem>>, %arg10: memref<2x768x512xf32, #tpu.memory_space<vmem>>, %arg11: memref<512x768xbf16, #tpu.memory_space<vmem>>, %arg12: memref<512x768xbf16, #tpu.memory_space<vmem>>, %arg13: memref<768x512xbf16, #tpu.memory_space<vmem>>, %arg14: memref<1xi32, #tpu.memory_space<smem>>, %arg15: memref<2x!tpu.dma_semaphore, #tpu.memory_space<semaphore_mem>>, %arg16: memref<2x!tpu.dma_semaphore, #tpu.memory_space<semaphore_mem>>, %arg17: memref<2x!tpu.dma_semaphore, #tpu.memory_space<semaphore_mem>>) attributes {dimension_semantics = [#tpu.dimension_semantics<arbitrary>], iteration_bounds = array<i64: 32>, scalar_prefetch = 2 : i64, scratch_operands = 10 : i64, tpu.core_type = #tpu.core_type<tc>, window_params = [{transform_indices = @transform_0, window_bounds = array<i64: 256, 768>}, {}, {}, {}, {transform_indices = @transform_4, window_bounds = array<i64: 256, 768>}]} {
    %sub3A = arith.constant 1 : i32
    %sub3A_0 = arith.subi %arg0, %sub3A : i32
    %max3A = arith.constant 0 : i32
    %max3A_1 = arith.maxsi %sub3A_0, %max3A : i32
    %get3A = arith.index_cast %max3A_1 : i32 to index
    %get3A_2 = memref.load %arg1[%get3A] : memref<32xi32, #tpu.memory_space<smem>>
    %eq3A = arith.constant 0 : i32
    %eq3A_3 = arith.cmpi eq, %arg0, %eq3A : i32
    %get3A_4 = arith.index_cast %arg0 : i32 to index
    %get3A_5 = memref.load %arg1[%get3A_4] : memref<32xi32, #tpu.memory_space<smem>>
    %ne3A = arith.cmpi ne, %get3A_5, %get3A_2 : i32
    %or3A = arith.ori %eq3A_3, %ne3A : i1
    %eq3A_6 = arith.constant 0 : i32
    %eq3A_7 = arith.cmpi eq, %arg0, %eq3A_6 : i32
    %convert_element_type3A = arith.extui %eq3A_7 : i1 to i32
    %cond3A = arith.constant 0 : i32
    %cond3A_8 = arith.cmpi ne, %convert_element_type3A, %cond3A : i32
    scf.if %cond3A_8 {
      %swap3A = arith.constant 0 : i32
      %swap3A_39 = arith.constant 0 : index
      %swap3A_40 = memref.load %arg14[%swap3A_39] : memref<1xi32, #tpu.memory_space<smem>>
      memref.store %swap3A, %arg14[%swap3A_39] : memref<1xi32, #tpu.memory_space<smem>>
      %get3A_41 = arith.constant 0 : index
      %get3A_42 = memref.load %arg1[%get3A_41] : memref<32xi32, #tpu.memory_space<smem>>
      %dma_start3A = arith.constant 0 : i32
      %dma_start3A_43 = arith.constant 0 : i32
      %dma_start3A_44 = tpu.memref_slice %arg15[%dma_start3A_43] : memref<2x!tpu.dma_semaphore, #tpu.memory_space<semaphore_mem>> -> memref<1x!tpu.dma_semaphore, #tpu.memory_space<semaphore_mem>>
      %dma_start3A_45 = tpu.memref_squeeze %dma_start3A_44 : memref<1x!tpu.dma_semaphore, #tpu.memory_space<semaphore_mem>> -> memref<!tpu.dma_semaphore, #tpu.memory_space<semaphore_mem>>
      %dma_start3A_46 = arith.constant 0 : i32
      %dma_start3A_47 = arith.constant 0 : i32
      %dma_start3A_48 = tpu.memref_slice %arg8[%dma_start3A, %dma_start3A_46, %dma_start3A_47] : memref<2x512x768xf32, #tpu.memory_space<vmem>> -> memref<1x512x768xf32, #tpu.memory_space<vmem>>
      %dma_start3A_49 = tpu.memref_squeeze %dma_start3A_48 : memref<1x512x768xf32, #tpu.memory_space<vmem>> -> memref<512x768xf32, #tpu.memory_space<vmem>>
      %dma_start3A_50 = arith.constant 0 : i32
      %dma_start3A_51 = arith.constant 0 : i32
      %dma_start3A_52 = tpu.memref_slice %arg4[%get3A_42, %dma_start3A_50, %dma_start3A_51] : memref<16x512x768xf32, #tpu.memory_space<any>> -> memref<1x512x768xf32, #tpu.memory_space<any>>
      %dma_start3A_53 = tpu.memref_squeeze %dma_start3A_52 : memref<1x512x768xf32, #tpu.memory_space<any>> -> memref<512x768xf32, #tpu.memory_space<any>>
      tpu.enqueue_dma source(%dma_start3A_53 : memref<512x768xf32, #tpu.memory_space<any>>) target(%dma_start3A_49 : memref<512x768xf32, #tpu.memory_space<vmem>>) target_semaphore(%dma_start3A_45 : memref<!tpu.dma_semaphore, #tpu.memory_space<semaphore_mem>>)
      %dma_start3A_54 = arith.constant 0 : i32
      %dma_start3A_55 = arith.constant 0 : i32
      %dma_start3A_56 = tpu.memref_slice %arg16[%dma_start3A_55] : memref<2x!tpu.dma_semaphore, #tpu.memory_space<semaphore_mem>> -> memref<1x!tpu.dma_semaphore, #tpu.memory_space<semaphore_mem>>
      %dma_start3A_57 = tpu.memref_squeeze %dma_start3A_56 : memref<1x!tpu.dma_semaphore, #tpu.memory_space<semaphore_mem>> -> memref<!tpu.dma_semaphore, #tpu.memory_space<semaphore_mem>>
      %dma_start3A_58 = arith.constant 0 : i32
      %dma_start3A_59 = arith.constant 0 : i32
      %dma_start3A_60 = tpu.memref_slice %arg9[%dma_start3A_54, %dma_start3A_58, %dma_start3A_59] : memref<2x512x768xf32, #tpu.memory_space<vmem>> -> memref<1x512x768xf32, #tpu.memory_space<vmem>>
      %dma_start3A_61 = tpu.memref_squeeze %dma_start3A_60 : memref<1x512x768xf32, #tpu.memory_space<vmem>> -> memref<512x768xf32, #tpu.memory_space<vmem>>
      %dma_start3A_62 = arith.constant 0 : i32
      %dma_start3A_63 = arith.constant 0 : i32
      %dma_start3A_64 = tpu.memref_slice %arg5[%get3A_42, %dma_start3A_62, %dma_start3A_63] : memref<16x512x768xf32, #tpu.memory_space<any>> -> memref<1x512x768xf32, #tpu.memory_space<any>>
      %dma_start3A_65 = tpu.memref_squeeze %dma_start3A_64 : memref<1x512x768xf32, #tpu.memory_space<any>> -> memref<512x768xf32, #tpu.memory_space<any>>
      tpu.enqueue_dma source(%dma_start3A_65 : memref<512x768xf32, #tpu.memory_space<any>>) target(%dma_start3A_61 : memref<512x768xf32, #tpu.memory_space<vmem>>) target_semaphore(%dma_start3A_57 : memref<!tpu.dma_semaphore, #tpu.memory_space<semaphore_mem>>)
      %dma_start3A_66 = arith.constant 0 : i32
      %dma_start3A_67 = arith.constant 0 : i32
      %dma_start3A_68 = tpu.memref_slice %arg17[%dma_start3A_67] : memref<2x!tpu.dma_semaphore, #tpu.memory_space<semaphore_mem>> -> memref<1x!tpu.dma_semaphore, #tpu.memory_space<semaphore_mem>>
      %dma_start3A_69 = tpu.memref_squeeze %dma_start3A_68 : memref<1x!tpu.dma_semaphore, #tpu.memory_space<semaphore_mem>> -> memref<!tpu.dma_semaphore, #tpu.memory_space<semaphore_mem>>
      %dma_start3A_70 = arith.constant 0 : i32
      %dma_start3A_71 = arith.constant 0 : i32
      %dma_start3A_72 = tpu.memref_slice %arg10[%dma_start3A_66, %dma_start3A_70, %dma_start3A_71] : memref<2x768x512xf32, #tpu.memory_space<vmem>> -> memref<1x768x512xf32, #tpu.memory_space<vmem>>
      %dma_start3A_73 = tpu.memref_squeeze %dma_start3A_72 : memref<1x768x512xf32, #tpu.memory_space<vmem>> -> memref<768x512xf32, #tpu.memory_space<vmem>>
      %dma_start3A_74 = arith.constant 0 : i32
      %dma_start3A_75 = arith.constant 0 : i32
      %dma_start3A_76 = tpu.memref_slice %arg6[%get3A_42, %dma_start3A_74, %dma_start3A_75] : memref<16x768x512xf32, #tpu.memory_space<any>> -> memref<1x768x512xf32, #tpu.memory_space<any>>
      %dma_start3A_77 = tpu.memref_squeeze %dma_start3A_76 : memref<1x768x512xf32, #tpu.memory_space<any>> -> memref<768x512xf32, #tpu.memory_space<any>>
      tpu.enqueue_dma source(%dma_start3A_77 : memref<768x512xf32, #tpu.memory_space<any>>) target(%dma_start3A_73 : memref<768x512xf32, #tpu.memory_space<vmem>>) target_semaphore(%dma_start3A_69 : memref<!tpu.dma_semaphore, #tpu.memory_space<semaphore_mem>>)
    } else {
    }
    %gt3A = arith.constant 0 : i32
    %gt3A_9 = arith.cmpi sgt, %arg0, %gt3A : i32
    %and3A = arith.andi %gt3A_9, %or3A : i1
    %convert_element_type3A_10 = arith.extui %and3A : i1 to i32
    %cond3A_11 = arith.constant 0 : i32
    %cond3A_12 = arith.cmpi ne, %convert_element_type3A_10, %cond3A_11 : i32
    scf.if %cond3A_12 {
      %get3A_39 = arith.constant 0 : index
      %get3A_40 = memref.load %arg14[%get3A_39] : memref<1xi32, #tpu.memory_space<smem>>
      %add3A_41 = arith.constant 1 : i32
      %add3A_42 = arith.addi %get3A_40, %add3A_41 : i32
      %swap3A = arith.constant 0 : index
      %swap3A_43 = memref.load %arg14[%swap3A] : memref<1xi32, #tpu.memory_space<smem>>
      memref.store %add3A_42, %arg14[%swap3A] : memref<1xi32, #tpu.memory_space<smem>>
    } else {
    }
    %get3A_13 = arith.constant 0 : index
    %get3A_14 = memref.load %arg14[%get3A_13] : memref<1xi32, #tpu.memory_space<smem>>
    %rem3A = arith.constant 2 : i32
    %rem3A_15 = arith.remsi %get3A_14, %rem3A : i32
    %convert_element_type3A_16 = arith.extui %or3A : i1 to i32
    %cond3A_17 = arith.constant 0 : i32
    %cond3A_18 = arith.cmpi ne, %convert_element_type3A_16, %cond3A_17 : i32
    scf.if %cond3A_18 {
      %get3A_39 = arith.index_cast %arg0 : i32 to index
      %get3A_40 = memref.load %arg1[%get3A_39] : memref<32xi32, #tpu.memory_space<smem>>
      %dma_wait3A = tpu.memref_slice %arg15[%rem3A_15] : memref<2x!tpu.dma_semaphore, #tpu.memory_space<semaphore_mem>> -> memref<1x!tpu.dma_semaphore, #tpu.memory_space<semaphore_mem>>
      %dma_wait3A_41 = tpu.memref_squeeze %dma_wait3A : memref<1x!tpu.dma_semaphore, #tpu.memory_space<semaphore_mem>> -> memref<!tpu.dma_semaphore, #tpu.memory_space<semaphore_mem>>
      %dma_wait3A_42 = arith.constant 0 : i32
      %dma_wait3A_43 = arith.constant 0 : i32
      %dma_wait3A_44 = tpu.memref_slice %arg8[%rem3A_15, %dma_wait3A_42, %dma_wait3A_43] : memref<2x512x768xf32, #tpu.memory_space<vmem>> -> memref<1x512x768xf32, #tpu.memory_space<vmem>>
      %dma_wait3A_45 = tpu.memref_squeeze %dma_wait3A_44 : memref<1x512x768xf32, #tpu.memory_space<vmem>> -> memref<512x768xf32, #tpu.memory_space<vmem>>
      %dma_wait3A_46 = arith.constant 0 : i32
      %dma_wait3A_47 = arith.constant 0 : i32
      %dma_wait3A_48 = tpu.memref_slice %arg4[%get3A_40, %dma_wait3A_46, %dma_wait3A_47] : memref<16x512x768xf32, #tpu.memory_space<any>> -> memref<1x512x768xf32, #tpu.memory_space<any>>
      %dma_wait3A_49 = tpu.memref_squeeze %dma_wait3A_48 : memref<1x512x768xf32, #tpu.memory_space<any>> -> memref<512x768xf32, #tpu.memory_space<any>>
      tpu.wait_dma2 semaphore(%dma_wait3A_41 : memref<!tpu.dma_semaphore, #tpu.memory_space<semaphore_mem>>) src(%dma_wait3A_49 : memref<512x768xf32, #tpu.memory_space<any>>) dst(%dma_wait3A_45 : memref<512x768xf32, #tpu.memory_space<vmem>>)
      %dma_wait3A_50 = tpu.memref_slice %arg16[%rem3A_15] : memref<2x!tpu.dma_semaphore, #tpu.memory_space<semaphore_mem>> -> memref<1x!tpu.dma_semaphore, #tpu.memory_space<semaphore_mem>>
      %dma_wait3A_51 = tpu.memref_squeeze %dma_wait3A_50 : memref<1x!tpu.dma_semaphore, #tpu.memory_space<semaphore_mem>> -> memref<!tpu.dma_semaphore, #tpu.memory_space<semaphore_mem>>
      %dma_wait3A_52 = arith.constant 0 : i32
      %dma_wait3A_53 = arith.constant 0 : i32
      %dma_wait3A_54 = tpu.memref_slice %arg9[%rem3A_15, %dma_wait3A_52, %dma_wait3A_53] : memref<2x512x768xf32, #tpu.memory_space<vmem>> -> memref<1x512x768xf32, #tpu.memory_space<vmem>>
      %dma_wait3A_55 = tpu.memref_squeeze %dma_wait3A_54 : memref<1x512x768xf32, #tpu.memory_space<vmem>> -> memref<512x768xf32, #tpu.memory_space<vmem>>
      %dma_wait3A_56 = arith.constant 0 : i32
      %dma_wait3A_57 = arith.constant 0 : i32
      %dma_wait3A_58 = tpu.memref_slice %arg5[%get3A_40, %dma_wait3A_56, %dma_wait3A_57] : memref<16x512x768xf32, #tpu.memory_space<any>> -> memref<1x512x768xf32, #tpu.memory_space<any>>
      %dma_wait3A_59 = tpu.memref_squeeze %dma_wait3A_58 : memref<1x512x768xf32, #tpu.memory_space<any>> -> memref<512x768xf32, #tpu.memory_space<any>>
      tpu.wait_dma2 semaphore(%dma_wait3A_51 : memref<!tpu.dma_semaphore, #tpu.memory_space<semaphore_mem>>) src(%dma_wait3A_59 : memref<512x768xf32, #tpu.memory_space<any>>) dst(%dma_wait3A_55 : memref<512x768xf32, #tpu.memory_space<vmem>>)
      %dma_wait3A_60 = tpu.memref_slice %arg17[%rem3A_15] : memref<2x!tpu.dma_semaphore, #tpu.memory_space<semaphore_mem>> -> memref<1x!tpu.dma_semaphore, #tpu.memory_space<semaphore_mem>>
      %dma_wait3A_61 = tpu.memref_squeeze %dma_wait3A_60 : memref<1x!tpu.dma_semaphore, #tpu.memory_space<semaphore_mem>> -> memref<!tpu.dma_semaphore, #tpu.memory_space<semaphore_mem>>
      %dma_wait3A_62 = arith.constant 0 : i32
      %dma_wait3A_63 = arith.constant 0 : i32
      %dma_wait3A_64 = tpu.memref_slice %arg10[%rem3A_15, %dma_wait3A_62, %dma_wait3A_63] : memref<2x768x512xf32, #tpu.memory_space<vmem>> -> memref<1x768x512xf32, #tpu.memory_space<vmem>>
      %dma_wait3A_65 = tpu.memref_squeeze %dma_wait3A_64 : memref<1x768x512xf32, #tpu.memory_space<vmem>> -> memref<768x512xf32, #tpu.memory_space<vmem>>
      %dma_wait3A_66 = arith.constant 0 : i32
      %dma_wait3A_67 = arith.constant 0 : i32
      %dma_wait3A_68 = tpu.memref_slice %arg6[%get3A_40, %dma_wait3A_66, %dma_wait3A_67] : memref<16x768x512xf32, #tpu.memory_space<any>> -> memref<1x768x512xf32, #tpu.memory_space<any>>
      %dma_wait3A_69 = tpu.memref_squeeze %dma_wait3A_68 : memref<1x768x512xf32, #tpu.memory_space<any>> -> memref<768x512xf32, #tpu.memory_space<any>>
      tpu.wait_dma2 semaphore(%dma_wait3A_61 : memref<!tpu.dma_semaphore, #tpu.memory_space<semaphore_mem>>) src(%dma_wait3A_69 : memref<768x512xf32, #tpu.memory_space<any>>) dst(%dma_wait3A_65 : memref<768x512xf32, #tpu.memory_space<vmem>>)
      %get3A_70 = arith.index_cast %rem3A_15 : i32 to index
      %get3A_71 = arith.constant 0 : index
      %get3A_72 = arith.constant 0 : index
      %get3A_73 = vector.load %arg8[%get3A_70, %get3A_71, %get3A_72] : memref<2x512x768xf32, #tpu.memory_space<vmem>>, vector<1x512x768xf32>
      %get3A_74 = vector.shape_cast %get3A_73 : vector<1x512x768xf32> to vector<512x768xf32>
      %convert_element_type3A_75 = arith.truncf %get3A_74 : vector<512x768xf32> to vector<512x768xbf16>
      %swap3A = arith.constant 0 : index
      %swap3A_76 = arith.constant 0 : index
      %swap3A_77 = vector.load %arg11[%swap3A, %swap3A_76] : memref<512x768xbf16, #tpu.memory_space<vmem>>, vector<512x768xbf16>
      tpu.vector_store %arg11[%swap3A, %swap3A_76], %convert_element_type3A_75 {strides = array<i32>} : memref<512x768xbf16, #tpu.memory_space<vmem>>, vector<512x768xbf16>,
      %get3A_78 = arith.index_cast %rem3A_15 : i32 to index
      %get3A_79 = arith.constant 0 : index
      %get3A_80 = arith.constant 0 : index
      %get3A_81 = vector.load %arg9[%get3A_78, %get3A_79, %get3A_80] : memref<2x512x768xf32, #tpu.memory_space<vmem>>, vector<1x512x768xf32>
      %get3A_82 = vector.shape_cast %get3A_81 : vector<1x512x768xf32> to vector<512x768xf32>
      %convert_element_type3A_83 = arith.truncf %get3A_82 : vector<512x768xf32> to vector<512x768xbf16>
      %swap3A_84 = arith.constant 0 : index
      %swap3A_85 = arith.constant 0 : index
      %swap3A_86 = vector.load %arg12[%swap3A_84, %swap3A_85] : memref<512x768xbf16, #tpu.memory_space<vmem>>, vector<512x768xbf16>
      tpu.vector_store %arg12[%swap3A_84, %swap3A_85], %convert_element_type3A_83 {strides = array<i32>} : memref<512x768xbf16, #tpu.memory_space<vmem>>, vector<512x768xbf16>,
      %get3A_87 = arith.index_cast %rem3A_15 : i32 to index
      %get3A_88 = arith.constant 0 : index
      %get3A_89 = arith.constant 0 : index
      %get3A_90 = vector.load %arg10[%get3A_87, %get3A_88, %get3A_89] : memref<2x768x512xf32, #tpu.memory_space<vmem>>, vector<1x768x512xf32>
      %get3A_91 = vector.shape_cast %get3A_90 : vector<1x768x512xf32> to vector<768x512xf32>
      %convert_element_type3A_92 = arith.truncf %get3A_91 : vector<768x512xf32> to vector<768x512xbf16>
      %swap3A_93 = arith.constant 0 : index
      %swap3A_94 = arith.constant 0 : index
      %swap3A_95 = vector.load %arg13[%swap3A_93, %swap3A_94] : memref<768x512xbf16, #tpu.memory_space<vmem>>, vector<768x512xbf16>
      tpu.vector_store %arg13[%swap3A_93, %swap3A_94], %convert_element_type3A_92 {strides = array<i32>} : memref<768x512xbf16, #tpu.memory_space<vmem>>, vector<768x512xbf16>,
    } else {
    }
    %add3A = arith.constant 1 : i32
    %add3A_19 = arith.addi %arg0, %add3A : i32
    %min3A = arith.constant 31 : i32
    %min3A_20 = arith.minsi %add3A_19, %min3A : i32
    %get3A_21 = arith.index_cast %min3A_20 : i32 to index
    %get3A_22 = memref.load %arg1[%get3A_21] : memref<32xi32, #tpu.memory_space<smem>>
    %add3A_23 = arith.constant 1 : i32
    %add3A_24 = arith.addi %arg0, %add3A_23 : i32
    %lt3A = arith.constant 32 : i32
    %lt3A_25 = arith.cmpi slt, %add3A_24, %lt3A : i32
    %get3A_26 = arith.index_cast %arg0 : i32 to index
    %get3A_27 = memref.load %arg1[%get3A_26] : memref<32xi32, #tpu.memory_space<smem>>
    %ne3A_28 = arith.cmpi ne, %get3A_22, %get3A_27 : i32
    %and3A_29 = arith.andi %lt3A_25, %ne3A_28 : i1
    %convert_element_type3A_30 = arith.extui %and3A_29 : i1 to i32
    %cond3A_31 = arith.constant 0 : i32
    %cond3A_32 = arith.cmpi ne, %convert_element_type3A_30, %cond3A_31 : i32
    scf.if %cond3A_32 {
      %sub3A_39 = arith.constant 1 : i32
      %sub3A_40 = arith.subi %sub3A_39, %rem3A_15 : i32
      %dma_start3A = tpu.memref_slice %arg15[%sub3A_40] : memref<2x!tpu.dma_semaphore, #tpu.memory_space<semaphore_mem>> -> memref<1x!tpu.dma_semaphore, #tpu.memory_space<semaphore_mem>>
      %dma_start3A_41 = tpu.memref_squeeze %dma_start3A : memref<1x!tpu.dma_semaphore, #tpu.memory_space<semaphore_mem>> -> memref<!tpu.dma_semaphore, #tpu.memory_space<semaphore_mem>>
      %dma_start3A_42 = arith.constant 0 : i32
      %dma_start3A_43 = arith.constant 0 : i32
      %dma_start3A_44 = tpu.memref_slice %arg8[%sub3A_40, %dma_start3A_42, %dma_start3A_43] : memref<2x512x768xf32, #tpu.memory_space<vmem>> -> memref<1x512x768xf32, #tpu.memory_space<vmem>>
      %dma_start3A_45 = tpu.memref_squeeze %dma_start3A_44 : memref<1x512x768xf32, #tpu.memory_space<vmem>> -> memref<512x768xf32, #tpu.memory_space<vmem>>
      %dma_start3A_46 = arith.constant 0 : i32
      %dma_start3A_47 = arith.constant 0 : i32
      %dma_start3A_48 = tpu.memref_slice %arg4[%get3A_22, %dma_start3A_46, %dma_start3A_47] : memref<16x512x768xf32, #tpu.memory_space<any>> -> memref<1x512x768xf32, #tpu.memory_space<any>>
      %dma_start3A_49 = tpu.memref_squeeze %dma_start3A_48 : memref<1x512x768xf32, #tpu.memory_space<any>> -> memref<512x768xf32, #tpu.memory_space<any>>
      tpu.enqueue_dma source(%dma_start3A_49 : memref<512x768xf32, #tpu.memory_space<any>>) target(%dma_start3A_45 : memref<512x768xf32, #tpu.memory_space<vmem>>) target_semaphore(%dma_start3A_41 : memref<!tpu.dma_semaphore, #tpu.memory_space<semaphore_mem>>)
      %dma_start3A_50 = tpu.memref_slice %arg16[%sub3A_40] : memref<2x!tpu.dma_semaphore, #tpu.memory_space<semaphore_mem>> -> memref<1x!tpu.dma_semaphore, #tpu.memory_space<semaphore_mem>>
      %dma_start3A_51 = tpu.memref_squeeze %dma_start3A_50 : memref<1x!tpu.dma_semaphore, #tpu.memory_space<semaphore_mem>> -> memref<!tpu.dma_semaphore, #tpu.memory_space<semaphore_mem>>
      %dma_start3A_52 = arith.constant 0 : i32
      %dma_start3A_53 = arith.constant 0 : i32
      %dma_start3A_54 = tpu.memref_slice %arg9[%sub3A_40, %dma_start3A_52, %dma_start3A_53] : memref<2x512x768xf32, #tpu.memory_space<vmem>> -> memref<1x512x768xf32, #tpu.memory_space<vmem>>
      %dma_start3A_55 = tpu.memref_squeeze %dma_start3A_54 : memref<1x512x768xf32, #tpu.memory_space<vmem>> -> memref<512x768xf32, #tpu.memory_space<vmem>>
      %dma_start3A_56 = arith.constant 0 : i32
      %dma_start3A_57 = arith.constant 0 : i32
      %dma_start3A_58 = tpu.memref_slice %arg5[%get3A_22, %dma_start3A_56, %dma_start3A_57] : memref<16x512x768xf32, #tpu.memory_space<any>> -> memref<1x512x768xf32, #tpu.memory_space<any>>
      %dma_start3A_59 = tpu.memref_squeeze %dma_start3A_58 : memref<1x512x768xf32, #tpu.memory_space<any>> -> memref<512x768xf32, #tpu.memory_space<any>>
      tpu.enqueue_dma source(%dma_start3A_59 : memref<512x768xf32, #tpu.memory_space<any>>) target(%dma_start3A_55 : memref<512x768xf32, #tpu.memory_space<vmem>>) target_semaphore(%dma_start3A_51 : memref<!tpu.dma_semaphore, #tpu.memory_space<semaphore_mem>>)
      %dma_start3A_60 = tpu.memref_slice %arg17[%sub3A_40] : memref<2x!tpu.dma_semaphore, #tpu.memory_space<semaphore_mem>> -> memref<1x!tpu.dma_semaphore, #tpu.memory_space<semaphore_mem>>
      %dma_start3A_61 = tpu.memref_squeeze %dma_start3A_60 : memref<1x!tpu.dma_semaphore, #tpu.memory_space<semaphore_mem>> -> memref<!tpu.dma_semaphore, #tpu.memory_space<semaphore_mem>>
      %dma_start3A_62 = arith.constant 0 : i32
      %dma_start3A_63 = arith.constant 0 : i32
      %dma_start3A_64 = tpu.memref_slice %arg10[%sub3A_40, %dma_start3A_62, %dma_start3A_63] : memref<2x768x512xf32, #tpu.memory_space<vmem>> -> memref<1x768x512xf32, #tpu.memory_space<vmem>>
      %dma_start3A_65 = tpu.memref_squeeze %dma_start3A_64 : memref<1x768x512xf32, #tpu.memory_space<vmem>> -> memref<768x512xf32, #tpu.memory_space<vmem>>
      %dma_start3A_66 = arith.constant 0 : i32
      %dma_start3A_67 = arith.constant 0 : i32
      %dma_start3A_68 = tpu.memref_slice %arg6[%get3A_22, %dma_start3A_66, %dma_start3A_67] : memref<16x768x512xf32, #tpu.memory_space<any>> -> memref<1x768x512xf32, #tpu.memory_space<any>>
      %dma_start3A_69 = tpu.memref_squeeze %dma_start3A_68 : memref<1x768x512xf32, #tpu.memory_space<any>> -> memref<768x512xf32, #tpu.memory_space<any>>
      tpu.enqueue_dma source(%dma_start3A_69 : memref<768x512xf32, #tpu.memory_space<any>>) target(%dma_start3A_65 : memref<768x512xf32, #tpu.memory_space<vmem>>) target_semaphore(%dma_start3A_61 : memref<!tpu.dma_semaphore, #tpu.memory_space<semaphore_mem>>)
    } else {
    }
    %get3A_33 = arith.constant 0 : index
    %get3A_34 = memref.load %arg2[%get3A_33] : memref<1xi32, #tpu.memory_space<smem>>
    %lt3A_35 = arith.cmpi slt, %arg0, %get3A_34 : i32
    %convert_element_type3A_36 = arith.extui %lt3A_35 : i1 to i32
    %cond3A_37 = arith.constant 0 : i32
    %cond3A_38 = arith.cmpi ne, %convert_element_type3A_36, %cond3A_37 : i32
    scf.if %cond3A_38 {
      %get3A_39 = arith.constant 0 : index
      %get3A_40 = arith.constant 0 : index
      %get3A_41 = vector.load %arg3[%get3A_39, %get3A_40] : memref<256x768xf32, #tpu.memory_space<vmem>>, vector<256x768xf32>
      %convert_element_type3A_42 = arith.truncf %get3A_41 : vector<256x768xf32> to vector<256x768xbf16>
      %get3A_43 = arith.constant 0 : index
      %get3A_44 = arith.constant 0 : index
      %get3A_45 = vector.load %arg11[%get3A_43, %get3A_44] : memref<512x768xbf16, #tpu.memory_space<vmem>>, vector<512x768xbf16>
      %dot_general3A = arith.constant dense<0.000000e+00> : vector<256x512xf32>
      %dot_general3A_46 = tpu.matmul %convert_element_type3A_42, %get3A_45, %dot_general3A {dimension_numbers = #tpu.dot_dimension_numbers<[1], [1], [0], [0], [0, 0, 1, 0], [], []>, transpose_lhs_hint = false} : vector<256x768xbf16>, vector<512x768xbf16>, vector<256x512xf32> -> vector<256x512xf32>
      %get3A_47 = arith.constant 0 : index
      %get3A_48 = arith.constant 0 : index
      %get3A_49 = vector.load %arg12[%get3A_47, %get3A_48] : memref<512x768xbf16, #tpu.memory_space<vmem>>, vector<512x768xbf16>
      %dot_general3A_50 = arith.constant dense<0.000000e+00> : vector<256x512xf32>
      %dot_general3A_51 = tpu.matmul %convert_element_type3A_42, %get3A_49, %dot_general3A_50 {dimension_numbers = #tpu.dot_dimension_numbers<[1], [1], [0], [0], [0, 0, 1, 0], [], []>, transpose_lhs_hint = false} : vector<256x768xbf16>, vector<512x768xbf16>, vector<256x512xf32> -> vector<256x512xf32>
      %neg3A = arith.constant 0.000000e+00 : f32
      %neg3A_52 = vector.broadcast %neg3A : f32 to vector<256x512xf32>
      %neg3A_53 = arith.subf %neg3A_52, %dot_general3A_46 : vector<256x512xf32>
      %exp3A = math.exp %neg3A_53 : vector<256x512xf32>
      %add3A_54 = arith.constant 1.000000e+00 : f32
      %add3A_55 = vector.broadcast %add3A_54 : f32 to vector<256x512xf32>
      %add3A_56 = arith.addf %add3A_55, %exp3A : vector<256x512xf32>
      %div3A = arith.constant 1.000000e+00 : f32
      %div3A_57 = vector.broadcast %div3A : f32 to vector<256x512xf32>
      %div3A_58 = arith.divf %div3A_57, %add3A_56 : vector<256x512xf32>
      %mul3A = arith.mulf %dot_general3A_46, %div3A_58 : vector<256x512xf32>
      %mul3A_59 = arith.mulf %mul3A, %dot_general3A_51 : vector<256x512xf32>
      %convert_element_type3A_60 = arith.truncf %mul3A_59 : vector<256x512xf32> to vector<256x512xbf16>
      %get3A_61 = arith.constant 0 : index
      %get3A_62 = arith.constant 0 : index
      %get3A_63 = vector.load %arg13[%get3A_61, %get3A_62] : memref<768x512xbf16, #tpu.memory_space<vmem>>, vector<768x512xbf16>
      %dot_general3A_64 = arith.constant dense<0.000000e+00> : vector<256x768xf32>
      %dot_general3A_65 = tpu.matmul %convert_element_type3A_60, %get3A_63, %dot_general3A_64 {dimension_numbers = #tpu.dot_dimension_numbers<[1], [1], [0], [0], [0, 0, 1, 0], [], []>, transpose_lhs_hint = false} : vector<256x512xbf16>, vector<768x512xbf16>, vector<256x768xf32> -> vector<256x768xf32>
      %swap3A = arith.constant 0 : index
      %swap3A_66 = arith.constant 0 : index
      %swap3A_67 = vector.load %arg7[%swap3A, %swap3A_66] : memref<256x768xf32, #tpu.memory_space<vmem>>, vector<256x768xf32>
      tpu.vector_store %arg7[%swap3A, %swap3A_66], %dot_general3A_65 {strides = array<i32>} : memref<256x768xf32, #tpu.memory_space<vmem>>, vector<256x768xf32>,
    } else {
    }
    return
  }
  func.func @transform_0(%arg0: i32, %arg1: memref<32xi32, #tpu.memory_space<smem>>, %arg2: memref<1xi32, #tpu.memory_space<smem>>) -> (i32, i32) {
    %c0_i32 = arith.constant 0 : i32
    %c0_i32_0 = arith.constant 0 : i32
    return %arg0, %c0_i32 : i32, i32
  }
  func.func @transform_4(%arg0: i32, %arg1: memref<32xi32, #tpu.memory_space<smem>>, %arg2: memref<1xi32, #tpu.memory_space<smem>>) -> (i32, i32) {
    %c0_i32 = arith.constant 0 : i32
    %c0_i32_0 = arith.constant 0 : i32
    return %arg0, %c0_i32 : i32, i32
  }
}

module attributes {stable_mosaic.version = 14 : i64} {
  func.func @_gate_body(%arg0: memref<2048x768xf32, #tpu.memory_space<vmem>>, %arg1: memref<16x768xf32, #tpu.memory_space<vmem>>, %arg2: memref<16x1xf32, #tpu.memory_space<vmem>>, %arg3: memref<2048x1xi32, #tpu.memory_space<vmem>>, %arg4: memref<2048x1xi32, #tpu.memory_space<vmem>>, %arg5: memref<2048x1xf32, #tpu.memory_space<vmem>>, %arg6: memref<2048x1xf32, #tpu.memory_space<vmem>>, %arg7: memref<32x1xi32, #tpu.memory_space<vmem>>, %arg8: memref<1x1xi32, #tpu.memory_space<vmem>>) attributes {dimension_semantics = [], scalar_prefetch = 0 : i64, scratch_operands = 0 : i64, tpu.core_type = #tpu.core_type<tc>} {
    %get3A = arith.constant 0 : index
    %get3A_0 = arith.constant 0 : index
    %get3A_1 = vector.load %arg0[%get3A, %get3A_0] : memref<2048x768xf32, #tpu.memory_space<vmem>>, vector<2048x768xf32>
    %get3A_2 = arith.constant 0 : index
    %get3A_3 = arith.constant 0 : index
    %get3A_4 = vector.load %arg1[%get3A_2, %get3A_3] : memref<16x768xf32, #tpu.memory_space<vmem>>, vector<16x768xf32>
    %dot_general3A = arith.constant dense<0.000000e+00> : vector<16x2048xf32>
    %dot_general3A_5 = tpu.matmul %get3A_4, %get3A_1, %dot_general3A {dimension_numbers = #tpu.dot_dimension_numbers<[1], [1], [0], [0], [0, 0, 1, 0], [], []>, transpose_lhs_hint = false} : vector<16x768xf32>, vector<2048x768xf32>, vector<16x2048xf32> -> vector<16x2048xf32>
    %neg3A = arith.constant 0.000000e+00 : f32
    %neg3A_6 = vector.broadcast %neg3A : f32 to vector<16x2048xf32>
    %neg3A_7 = arith.subf %neg3A_6, %dot_general3A_5 : vector<16x2048xf32>
    %exp3A = math.exp %neg3A_7 : vector<16x2048xf32>
    %add3A = arith.constant 1.000000e+00 : f32
    %add3A_8 = vector.broadcast %add3A : f32 to vector<16x2048xf32>
    %add3A_9 = arith.addf %add3A_8, %exp3A : vector<16x2048xf32>
    %div3A = arith.constant 1.000000e+00 : f32
    %div3A_10 = vector.broadcast %div3A : f32 to vector<16x2048xf32>
    %div3A_11 = arith.divf %div3A_10, %add3A_9 : vector<16x2048xf32>
    %get3A_12 = arith.constant 0 : index
    %get3A_13 = arith.constant 0 : index
    %get3A_14 = vector.load %arg2[%get3A_12, %get3A_13] : memref<16x1xf32, #tpu.memory_space<vmem>>, vector<16x1xf32>
    %add3A_15 = vector.broadcast %get3A_14 : vector<16x1xf32> to vector<16x2048xf32>
    %add3A_16 = arith.addf %div3A_11, %add3A_15 : vector<16x2048xf32>
    %iota3A = tpu.iota {dimensions = array<i32: 0>} : vector<16x2048xi32>
    %slice3A = vector.extract_strided_slice %add3A_16 {offsets = [0, 0], sizes = [1, 2048], strides = [1, 1]} : vector<16x2048xf32> to vector<1x2048xf32>
    %slice3A_17 = vector.extract_strided_slice %add3A_16 {offsets = [1, 0], sizes = [1, 2048], strides = [1, 1]} : vector<16x2048xf32> to vector<1x2048xf32>
    %slice3A_18 = vector.extract_strided_slice %add3A_16 {offsets = [2, 0], sizes = [1, 2048], strides = [1, 1]} : vector<16x2048xf32> to vector<1x2048xf32>
    %slice3A_19 = vector.extract_strided_slice %add3A_16 {offsets = [3, 0], sizes = [1, 2048], strides = [1, 1]} : vector<16x2048xf32> to vector<1x2048xf32>
    %add3A_20 = arith.addf %slice3A, %slice3A_17 : vector<1x2048xf32>
    %add3A_21 = arith.addf %slice3A, %slice3A_18 : vector<1x2048xf32>
    %max3A = arith.maximumf %add3A_20, %add3A_21 : vector<1x2048xf32>
    %add3A_22 = arith.addf %slice3A, %slice3A_19 : vector<1x2048xf32>
    %max3A_23 = arith.maximumf %max3A, %add3A_22 : vector<1x2048xf32>
    %add3A_24 = arith.addf %slice3A_17, %slice3A_18 : vector<1x2048xf32>
    %max3A_25 = arith.maximumf %max3A_23, %add3A_24 : vector<1x2048xf32>
    %add3A_26 = arith.addf %slice3A_17, %slice3A_19 : vector<1x2048xf32>
    %max3A_27 = arith.maximumf %max3A_25, %add3A_26 : vector<1x2048xf32>
    %add3A_28 = arith.addf %slice3A_18, %slice3A_19 : vector<1x2048xf32>
    %max3A_29 = arith.maximumf %max3A_27, %add3A_28 : vector<1x2048xf32>
    %slice3A_30 = vector.extract_strided_slice %add3A_16 {offsets = [4, 0], sizes = [1, 2048], strides = [1, 1]} : vector<16x2048xf32> to vector<1x2048xf32>
    %slice3A_31 = vector.extract_strided_slice %add3A_16 {offsets = [5, 0], sizes = [1, 2048], strides = [1, 1]} : vector<16x2048xf32> to vector<1x2048xf32>
    %slice3A_32 = vector.extract_strided_slice %add3A_16 {offsets = [6, 0], sizes = [1, 2048], strides = [1, 1]} : vector<16x2048xf32> to vector<1x2048xf32>
    %slice3A_33 = vector.extract_strided_slice %add3A_16 {offsets = [7, 0], sizes = [1, 2048], strides = [1, 1]} : vector<16x2048xf32> to vector<1x2048xf32>
    %add3A_34 = arith.addf %slice3A_30, %slice3A_31 : vector<1x2048xf32>
    %add3A_35 = arith.addf %slice3A_30, %slice3A_32 : vector<1x2048xf32>
    %max3A_36 = arith.maximumf %add3A_34, %add3A_35 : vector<1x2048xf32>
    %add3A_37 = arith.addf %slice3A_30, %slice3A_33 : vector<1x2048xf32>
    %max3A_38 = arith.maximumf %max3A_36, %add3A_37 : vector<1x2048xf32>
    %add3A_39 = arith.addf %slice3A_31, %slice3A_32 : vector<1x2048xf32>
    %max3A_40 = arith.maximumf %max3A_38, %add3A_39 : vector<1x2048xf32>
    %add3A_41 = arith.addf %slice3A_31, %slice3A_33 : vector<1x2048xf32>
    %max3A_42 = arith.maximumf %max3A_40, %add3A_41 : vector<1x2048xf32>
    %add3A_43 = arith.addf %slice3A_32, %slice3A_33 : vector<1x2048xf32>
    %max3A_44 = arith.maximumf %max3A_42, %add3A_43 : vector<1x2048xf32>
    %slice3A_45 = vector.extract_strided_slice %add3A_16 {offsets = [8, 0], sizes = [1, 2048], strides = [1, 1]} : vector<16x2048xf32> to vector<1x2048xf32>
    %slice3A_46 = vector.extract_strided_slice %add3A_16 {offsets = [9, 0], sizes = [1, 2048], strides = [1, 1]} : vector<16x2048xf32> to vector<1x2048xf32>
    %slice3A_47 = vector.extract_strided_slice %add3A_16 {offsets = [10, 0], sizes = [1, 2048], strides = [1, 1]} : vector<16x2048xf32> to vector<1x2048xf32>
    %slice3A_48 = vector.extract_strided_slice %add3A_16 {offsets = [11, 0], sizes = [1, 2048], strides = [1, 1]} : vector<16x2048xf32> to vector<1x2048xf32>
    %add3A_49 = arith.addf %slice3A_45, %slice3A_46 : vector<1x2048xf32>
    %add3A_50 = arith.addf %slice3A_45, %slice3A_47 : vector<1x2048xf32>
    %max3A_51 = arith.maximumf %add3A_49, %add3A_50 : vector<1x2048xf32>
    %add3A_52 = arith.addf %slice3A_45, %slice3A_48 : vector<1x2048xf32>
    %max3A_53 = arith.maximumf %max3A_51, %add3A_52 : vector<1x2048xf32>
    %add3A_54 = arith.addf %slice3A_46, %slice3A_47 : vector<1x2048xf32>
    %max3A_55 = arith.maximumf %max3A_53, %add3A_54 : vector<1x2048xf32>
    %add3A_56 = arith.addf %slice3A_46, %slice3A_48 : vector<1x2048xf32>
    %max3A_57 = arith.maximumf %max3A_55, %add3A_56 : vector<1x2048xf32>
    %add3A_58 = arith.addf %slice3A_47, %slice3A_48 : vector<1x2048xf32>
    %max3A_59 = arith.maximumf %max3A_57, %add3A_58 : vector<1x2048xf32>
    %slice3A_60 = vector.extract_strided_slice %add3A_16 {offsets = [12, 0], sizes = [1, 2048], strides = [1, 1]} : vector<16x2048xf32> to vector<1x2048xf32>
    %slice3A_61 = vector.extract_strided_slice %add3A_16 {offsets = [13, 0], sizes = [1, 2048], strides = [1, 1]} : vector<16x2048xf32> to vector<1x2048xf32>
    %slice3A_62 = vector.extract_strided_slice %add3A_16 {offsets = [14, 0], sizes = [1, 2048], strides = [1, 1]} : vector<16x2048xf32> to vector<1x2048xf32>
    %slice3A_63 = vector.extract_strided_slice %add3A_16 {offsets = [15, 0], sizes = [1, 2048], strides = [1, 1]} : vector<16x2048xf32> to vector<1x2048xf32>
    %add3A_64 = arith.addf %slice3A_60, %slice3A_61 : vector<1x2048xf32>
    %add3A_65 = arith.addf %slice3A_60, %slice3A_62 : vector<1x2048xf32>
    %max3A_66 = arith.maximumf %add3A_64, %add3A_65 : vector<1x2048xf32>
    %add3A_67 = arith.addf %slice3A_60, %slice3A_63 : vector<1x2048xf32>
    %max3A_68 = arith.maximumf %max3A_66, %add3A_67 : vector<1x2048xf32>
    %add3A_69 = arith.addf %slice3A_61, %slice3A_62 : vector<1x2048xf32>
    %max3A_70 = arith.maximumf %max3A_68, %add3A_69 : vector<1x2048xf32>
    %add3A_71 = arith.addf %slice3A_61, %slice3A_63 : vector<1x2048xf32>
    %max3A_72 = arith.maximumf %max3A_70, %add3A_71 : vector<1x2048xf32>
    %add3A_73 = arith.addf %slice3A_62, %slice3A_63 : vector<1x2048xf32>
    %max3A_74 = arith.maximumf %max3A_72, %add3A_73 : vector<1x2048xf32>
    %broadcast_in_dim3A = arith.constant false
    %broadcast_in_dim3A_75 = vector.broadcast %broadcast_in_dim3A : i1 to vector<16x2048xi1>
    %broadcast_in_dim3A_76 = arith.constant 0 : i32
    %broadcast_in_dim3A_77 = vector.broadcast %broadcast_in_dim3A_76 : i32 to vector<1x2048xi32>
    %gt3A = arith.cmpf ogt, %max3A_44, %max3A_29 : vector<1x2048xf32>
    %eq3A = arith.cmpf oeq, %max3A_44, %max3A_29 : vector<1x2048xf32>
    %and3A = arith.constant false
    %and3A_78 = vector.broadcast %and3A : i1 to vector<1x2048xi1>
    %and3A_79 = arith.andi %eq3A, %and3A_78 : vector<1x2048xi1>
    %or3A = arith.ori %gt3A, %and3A_79 : vector<1x2048xi1>
    %convert_element_type3A = arith.extui %or3A : vector<1x2048xi1> to vector<1x2048xi32>
    %add3A_80 = arith.addi %broadcast_in_dim3A_77, %convert_element_type3A : vector<1x2048xi32>
    %gt3A_81 = arith.cmpf ogt, %max3A_59, %max3A_29 : vector<1x2048xf32>
    %eq3A_82 = arith.cmpf oeq, %max3A_59, %max3A_29 : vector<1x2048xf32>
    %and3A_83 = arith.constant false
    %and3A_84 = vector.broadcast %and3A_83 : i1 to vector<1x2048xi1>
    %and3A_85 = arith.andi %eq3A_82, %and3A_84 : vector<1x2048xi1>
    %or3A_86 = arith.ori %gt3A_81, %and3A_85 : vector<1x2048xi1>
    %convert_element_type3A_87 = arith.extui %or3A_86 : vector<1x2048xi1> to vector<1x2048xi32>
    %add3A_88 = arith.addi %add3A_80, %convert_element_type3A_87 : vector<1x2048xi32>
    %gt3A_89 = arith.cmpf ogt, %max3A_74, %max3A_29 : vector<1x2048xf32>
    %eq3A_90 = arith.cmpf oeq, %max3A_74, %max3A_29 : vector<1x2048xf32>
    %and3A_91 = arith.constant false
    %and3A_92 = vector.broadcast %and3A_91 : i1 to vector<1x2048xi1>
    %and3A_93 = arith.andi %eq3A_90, %and3A_92 : vector<1x2048xi1>
    %or3A_94 = arith.ori %gt3A_89, %and3A_93 : vector<1x2048xi1>
    %convert_element_type3A_95 = arith.extui %or3A_94 : vector<1x2048xi1> to vector<1x2048xi32>
    %add3A_96 = arith.addi %add3A_88, %convert_element_type3A_95 : vector<1x2048xi32>
    %jit3A = arith.constant 4 : i32
    %div3A_97 = vector.broadcast %jit3A : i32 to vector<16x2048xi32>
    %div3A_98 = arith.divsi %iota3A, %div3A_97 : vector<16x2048xi32>
    %sign3A = arith.constant 0 : i32
    %sign3A_99 = vector.broadcast %sign3A : i32 to vector<16x2048xi32>
    %sign3A_100 = arith.cmpi sgt, %iota3A, %sign3A_99 : vector<16x2048xi32>
    %sign3A_101 = arith.extui %sign3A_100 : vector<16x2048xi1> to vector<16x2048xi32>
    %sign3A_102 = arith.constant 0 : i32
    %sign3A_103 = vector.broadcast %sign3A_102 : i32 to vector<16x2048xi32>
    %sign3A_104 = arith.cmpi slt, %iota3A, %sign3A_103 : vector<16x2048xi32>
    %sign3A_105 = arith.extui %sign3A_104 : vector<16x2048xi1> to vector<16x2048xi32>
    %sign3A_106 = arith.subi %sign3A_101, %sign3A_105 : vector<16x2048xi32>
    %sign3A_107 = arith.constant 0 : i32
    %sign3A_108 = arith.cmpi sgt, %jit3A, %sign3A_107 : i32
    %sign3A_109 = arith.extui %sign3A_108 : i1 to i32
    %sign3A_110 = arith.constant 0 : i32
    %sign3A_111 = arith.cmpi slt, %jit3A, %sign3A_110 : i32
    %sign3A_112 = arith.extui %sign3A_111 : i1 to i32
    %sign3A_113 = arith.subi %sign3A_109, %sign3A_112 : i32
    %ne3A = vector.broadcast %sign3A_113 : i32 to vector<16x2048xi32>
    %ne3A_114 = arith.cmpi ne, %sign3A_106, %ne3A : vector<16x2048xi32>
    %rem3A = vector.broadcast %jit3A : i32 to vector<16x2048xi32>
    %rem3A_115 = arith.remsi %iota3A, %rem3A : vector<16x2048xi32>
    %ne3A_116 = arith.constant 0 : i32
    %ne3A_117 = vector.broadcast %ne3A_116 : i32 to vector<16x2048xi32>
    %ne3A_118 = arith.cmpi ne, %rem3A_115, %ne3A_117 : vector<16x2048xi32>
    %and3A_119 = arith.andi %ne3A_114, %ne3A_118 : vector<16x2048xi1>
    %sub3A = arith.constant 1 : i32
    %sub3A_120 = vector.broadcast %sub3A : i32 to vector<16x2048xi32>
    %sub3A_121 = arith.subi %div3A_98, %sub3A_120 : vector<16x2048xi32>
    %select_n3A = arith.select %and3A_119, %sub3A_121, %div3A_98 : vector<16x2048xi1>, vector<16x2048xi32>
    %eq3A_122 = arith.constant 0 : i32
    %eq3A_123 = vector.broadcast %eq3A_122 : i32 to vector<16x2048xi32>
    %eq3A_124 = arith.cmpi eq, %select_n3A, %eq3A_123 : vector<16x2048xi32>
    %lt3A = arith.constant 2 : i32
    %lt3A_125 = vector.broadcast %lt3A : i32 to vector<1x2048xi32>
    %lt3A_126 = arith.cmpi slt, %add3A_96, %lt3A_125 : vector<1x2048xi32>
    %and3A_127 = vector.broadcast %lt3A_126 : vector<1x2048xi1> to vector<16x2048xi1>
    %and3A_128 = arith.andi %eq3A_124, %and3A_127 : vector<16x2048xi1>
    %or3A_129 = arith.ori %broadcast_in_dim3A_75, %and3A_128 : vector<16x2048xi1>
    %broadcast_in_dim3A_130 = arith.constant 0 : i32
    %broadcast_in_dim3A_131 = vector.broadcast %broadcast_in_dim3A_130 : i32 to vector<1x2048xi32>
    %gt3A_132 = arith.cmpf ogt, %max3A_29, %max3A_44 : vector<1x2048xf32>
    %eq3A_133 = arith.cmpf oeq, %max3A_29, %max3A_44 : vector<1x2048xf32>
    %and3A_134 = arith.constant true
    %and3A_135 = vector.broadcast %and3A_134 : i1 to vector<1x2048xi1>
    %and3A_136 = arith.andi %eq3A_133, %and3A_135 : vector<1x2048xi1>
    %or3A_137 = arith.ori %gt3A_132, %and3A_136 : vector<1x2048xi1>
    %convert_element_type3A_138 = arith.extui %or3A_137 : vector<1x2048xi1> to vector<1x2048xi32>
    %add3A_139 = arith.addi %broadcast_in_dim3A_131, %convert_element_type3A_138 : vector<1x2048xi32>
    %gt3A_140 = arith.cmpf ogt, %max3A_59, %max3A_44 : vector<1x2048xf32>
    %eq3A_141 = arith.cmpf oeq, %max3A_59, %max3A_44 : vector<1x2048xf32>
    %and3A_142 = arith.constant false
    %and3A_143 = vector.broadcast %and3A_142 : i1 to vector<1x2048xi1>
    %and3A_144 = arith.andi %eq3A_141, %and3A_143 : vector<1x2048xi1>
    %or3A_145 = arith.ori %gt3A_140, %and3A_144 : vector<1x2048xi1>
    %convert_element_type3A_146 = arith.extui %or3A_145 : vector<1x2048xi1> to vector<1x2048xi32>
    %add3A_147 = arith.addi %add3A_139, %convert_element_type3A_146 : vector<1x2048xi32>
    %gt3A_148 = arith.cmpf ogt, %max3A_74, %max3A_44 : vector<1x2048xf32>
    %eq3A_149 = arith.cmpf oeq, %max3A_74, %max3A_44 : vector<1x2048xf32>
    %and3A_150 = arith.constant false
    %and3A_151 = vector.broadcast %and3A_150 : i1 to vector<1x2048xi1>
    %and3A_152 = arith.andi %eq3A_149, %and3A_151 : vector<1x2048xi1>
    %or3A_153 = arith.ori %gt3A_148, %and3A_152 : vector<1x2048xi1>
    %convert_element_type3A_154 = arith.extui %or3A_153 : vector<1x2048xi1> to vector<1x2048xi32>
    %add3A_155 = arith.addi %add3A_147, %convert_element_type3A_154 : vector<1x2048xi32>
    %jit3A_156 = arith.constant 4 : i32
    %div3A_157 = vector.broadcast %jit3A_156 : i32 to vector<16x2048xi32>
    %div3A_158 = arith.divsi %iota3A, %div3A_157 : vector<16x2048xi32>
    %sign3A_159 = arith.constant 0 : i32
    %sign3A_160 = vector.broadcast %sign3A_159 : i32 to vector<16x2048xi32>
    %sign3A_161 = arith.cmpi sgt, %iota3A, %sign3A_160 : vector<16x2048xi32>
    %sign3A_162 = arith.extui %sign3A_161 : vector<16x2048xi1> to vector<16x2048xi32>
    %sign3A_163 = arith.constant 0 : i32
    %sign3A_164 = vector.broadcast %sign3A_163 : i32 to vector<16x2048xi32>
    %sign3A_165 = arith.cmpi slt, %iota3A, %sign3A_164 : vector<16x2048xi32>
    %sign3A_166 = arith.extui %sign3A_165 : vector<16x2048xi1> to vector<16x2048xi32>
    %sign3A_167 = arith.subi %sign3A_162, %sign3A_166 : vector<16x2048xi32>
    %sign3A_168 = arith.constant 0 : i32
    %sign3A_169 = arith.cmpi sgt, %jit3A_156, %sign3A_168 : i32
    %sign3A_170 = arith.extui %sign3A_169 : i1 to i32
    %sign3A_171 = arith.constant 0 : i32
    %sign3A_172 = arith.cmpi slt, %jit3A_156, %sign3A_171 : i32
    %sign3A_173 = arith.extui %sign3A_172 : i1 to i32
    %sign3A_174 = arith.subi %sign3A_170, %sign3A_173 : i32
    %ne3A_175 = vector.broadcast %sign3A_174 : i32 to vector<16x2048xi32>
    %ne3A_176 = arith.cmpi ne, %sign3A_167, %ne3A_175 : vector<16x2048xi32>
    %rem3A_177 = vector.broadcast %jit3A_156 : i32 to vector<16x2048xi32>
    %rem3A_178 = arith.remsi %iota3A, %rem3A_177 : vector<16x2048xi32>
    %ne3A_179 = arith.constant 0 : i32
    %ne3A_180 = vector.broadcast %ne3A_179 : i32 to vector<16x2048xi32>
    %ne3A_181 = arith.cmpi ne, %rem3A_178, %ne3A_180 : vector<16x2048xi32>
    %and3A_182 = arith.andi %ne3A_176, %ne3A_181 : vector<16x2048xi1>
    %sub3A_183 = arith.constant 1 : i32
    %sub3A_184 = vector.broadcast %sub3A_183 : i32 to vector<16x2048xi32>
    %sub3A_185 = arith.subi %div3A_158, %sub3A_184 : vector<16x2048xi32>
    %select_n3A_186 = arith.select %and3A_182, %sub3A_185, %div3A_158 : vector<16x2048xi1>, vector<16x2048xi32>
    %eq3A_187 = arith.constant 1 : i32
    %eq3A_188 = vector.broadcast %eq3A_187 : i32 to vector<16x2048xi32>
    %eq3A_189 = arith.cmpi eq, %select_n3A_186, %eq3A_188 : vector<16x2048xi32>
    %lt3A_190 = arith.constant 2 : i32
    %lt3A_191 = vector.broadcast %lt3A_190 : i32 to vector<1x2048xi32>
    %lt3A_192 = arith.cmpi slt, %add3A_155, %lt3A_191 : vector<1x2048xi32>
    %and3A_193 = vector.broadcast %lt3A_192 : vector<1x2048xi1> to vector<16x2048xi1>
    %and3A_194 = arith.andi %eq3A_189, %and3A_193 : vector<16x2048xi1>
    %or3A_195 = arith.ori %or3A_129, %and3A_194 : vector<16x2048xi1>
    %broadcast_in_dim3A_196 = arith.constant 0 : i32
    %broadcast_in_dim3A_197 = vector.broadcast %broadcast_in_dim3A_196 : i32 to vector<1x2048xi32>
    %gt3A_198 = arith.cmpf ogt, %max3A_29, %max3A_59 : vector<1x2048xf32>
    %eq3A_199 = arith.cmpf oeq, %max3A_29, %max3A_59 : vector<1x2048xf32>
    %and3A_200 = arith.constant true
    %and3A_201 = vector.broadcast %and3A_200 : i1 to vector<1x2048xi1>
    %and3A_202 = arith.andi %eq3A_199, %and3A_201 : vector<1x2048xi1>
    %or3A_203 = arith.ori %gt3A_198, %and3A_202 : vector<1x2048xi1>
    %convert_element_type3A_204 = arith.extui %or3A_203 : vector<1x2048xi1> to vector<1x2048xi32>
    %add3A_205 = arith.addi %broadcast_in_dim3A_197, %convert_element_type3A_204 : vector<1x2048xi32>
    %gt3A_206 = arith.cmpf ogt, %max3A_44, %max3A_59 : vector<1x2048xf32>
    %eq3A_207 = arith.cmpf oeq, %max3A_44, %max3A_59 : vector<1x2048xf32>
    %and3A_208 = arith.constant true
    %and3A_209 = vector.broadcast %and3A_208 : i1 to vector<1x2048xi1>
    %and3A_210 = arith.andi %eq3A_207, %and3A_209 : vector<1x2048xi1>
    %or3A_211 = arith.ori %gt3A_206, %and3A_210 : vector<1x2048xi1>
    %convert_element_type3A_212 = arith.extui %or3A_211 : vector<1x2048xi1> to vector<1x2048xi32>
    %add3A_213 = arith.addi %add3A_205, %convert_element_type3A_212 : vector<1x2048xi32>
    %gt3A_214 = arith.cmpf ogt, %max3A_74, %max3A_59 : vector<1x2048xf32>
    %eq3A_215 = arith.cmpf oeq, %max3A_74, %max3A_59 : vector<1x2048xf32>
    %and3A_216 = arith.constant false
    %and3A_217 = vector.broadcast %and3A_216 : i1 to vector<1x2048xi1>
    %and3A_218 = arith.andi %eq3A_215, %and3A_217 : vector<1x2048xi1>
    %or3A_219 = arith.ori %gt3A_214, %and3A_218 : vector<1x2048xi1>
    %convert_element_type3A_220 = arith.extui %or3A_219 : vector<1x2048xi1> to vector<1x2048xi32>
    %add3A_221 = arith.addi %add3A_213, %convert_element_type3A_220 : vector<1x2048xi32>
    %jit3A_222 = arith.constant 4 : i32
    %div3A_223 = vector.broadcast %jit3A_222 : i32 to vector<16x2048xi32>
    %div3A_224 = arith.divsi %iota3A, %div3A_223 : vector<16x2048xi32>
    %sign3A_225 = arith.constant 0 : i32
    %sign3A_226 = vector.broadcast %sign3A_225 : i32 to vector<16x2048xi32>
    %sign3A_227 = arith.cmpi sgt, %iota3A, %sign3A_226 : vector<16x2048xi32>
    %sign3A_228 = arith.extui %sign3A_227 : vector<16x2048xi1> to vector<16x2048xi32>
    %sign3A_229 = arith.constant 0 : i32
    %sign3A_230 = vector.broadcast %sign3A_229 : i32 to vector<16x2048xi32>
    %sign3A_231 = arith.cmpi slt, %iota3A, %sign3A_230 : vector<16x2048xi32>
    %sign3A_232 = arith.extui %sign3A_231 : vector<16x2048xi1> to vector<16x2048xi32>
    %sign3A_233 = arith.subi %sign3A_228, %sign3A_232 : vector<16x2048xi32>
    %sign3A_234 = arith.constant 0 : i32
    %sign3A_235 = arith.cmpi sgt, %jit3A_222, %sign3A_234 : i32
    %sign3A_236 = arith.extui %sign3A_235 : i1 to i32
    %sign3A_237 = arith.constant 0 : i32
    %sign3A_238 = arith.cmpi slt, %jit3A_222, %sign3A_237 : i32
    %sign3A_239 = arith.extui %sign3A_238 : i1 to i32
    %sign3A_240 = arith.subi %sign3A_236, %sign3A_239 : i32
    %ne3A_241 = vector.broadcast %sign3A_240 : i32 to vector<16x2048xi32>
    %ne3A_242 = arith.cmpi ne, %sign3A_233, %ne3A_241 : vector<16x2048xi32>
    %rem3A_243 = vector.broadcast %jit3A_222 : i32 to vector<16x2048xi32>
    %rem3A_244 = arith.remsi %iota3A, %rem3A_243 : vector<16x2048xi32>
    %ne3A_245 = arith.constant 0 : i32
    %ne3A_246 = vector.broadcast %ne3A_245 : i32 to vector<16x2048xi32>
    %ne3A_247 = arith.cmpi ne, %rem3A_244, %ne3A_246 : vector<16x2048xi32>
    %and3A_248 = arith.andi %ne3A_242, %ne3A_247 : vector<16x2048xi1>
    %sub3A_249 = arith.constant 1 : i32
    %sub3A_250 = vector.broadcast %sub3A_249 : i32 to vector<16x2048xi32>
    %sub3A_251 = arith.subi %div3A_224, %sub3A_250 : vector<16x2048xi32>
    %select_n3A_252 = arith.select %and3A_248, %sub3A_251, %div3A_224 : vector<16x2048xi1>, vector<16x2048xi32>
    %eq3A_253 = arith.constant 2 : i32
    %eq3A_254 = vector.broadcast %eq3A_253 : i32 to vector<16x2048xi32>
    %eq3A_255 = arith.cmpi eq, %select_n3A_252, %eq3A_254 : vector<16x2048xi32>
    %lt3A_256 = arith.constant 2 : i32
    %lt3A_257 = vector.broadcast %lt3A_256 : i32 to vector<1x2048xi32>
    %lt3A_258 = arith.cmpi slt, %add3A_221, %lt3A_257 : vector<1x2048xi32>
    %and3A_259 = vector.broadcast %lt3A_258 : vector<1x2048xi1> to vector<16x2048xi1>
    %and3A_260 = arith.andi %eq3A_255, %and3A_259 : vector<16x2048xi1>
    %or3A_261 = arith.ori %or3A_195, %and3A_260 : vector<16x2048xi1>
    %broadcast_in_dim3A_262 = arith.constant 0 : i32
    %broadcast_in_dim3A_263 = vector.broadcast %broadcast_in_dim3A_262 : i32 to vector<1x2048xi32>
    %gt3A_264 = arith.cmpf ogt, %max3A_29, %max3A_74 : vector<1x2048xf32>
    %eq3A_265 = arith.cmpf oeq, %max3A_29, %max3A_74 : vector<1x2048xf32>
    %and3A_266 = arith.constant true
    %and3A_267 = vector.broadcast %and3A_266 : i1 to vector<1x2048xi1>
    %and3A_268 = arith.andi %eq3A_265, %and3A_267 : vector<1x2048xi1>
    %or3A_269 = arith.ori %gt3A_264, %and3A_268 : vector<1x2048xi1>
    %convert_element_type3A_270 = arith.extui %or3A_269 : vector<1x2048xi1> to vector<1x2048xi32>
    %add3A_271 = arith.addi %broadcast_in_dim3A_263, %convert_element_type3A_270 : vector<1x2048xi32>
    %gt3A_272 = arith.cmpf ogt, %max3A_44, %max3A_74 : vector<1x2048xf32>
    %eq3A_273 = arith.cmpf oeq, %max3A_44, %max3A_74 : vector<1x2048xf32>
    %and3A_274 = arith.constant true
    %and3A_275 = vector.broadcast %and3A_274 : i1 to vector<1x2048xi1>
    %and3A_276 = arith.andi %eq3A_273, %and3A_275 : vector<1x2048xi1>
    %or3A_277 = arith.ori %gt3A_272, %and3A_276 : vector<1x2048xi1>
    %convert_element_type3A_278 = arith.extui %or3A_277 : vector<1x2048xi1> to vector<1x2048xi32>
    %add3A_279 = arith.addi %add3A_271, %convert_element_type3A_278 : vector<1x2048xi32>
    %gt3A_280 = arith.cmpf ogt, %max3A_59, %max3A_74 : vector<1x2048xf32>
    %eq3A_281 = arith.cmpf oeq, %max3A_59, %max3A_74 : vector<1x2048xf32>
    %and3A_282 = arith.constant true
    %and3A_283 = vector.broadcast %and3A_282 : i1 to vector<1x2048xi1>
    %and3A_284 = arith.andi %eq3A_281, %and3A_283 : vector<1x2048xi1>
    %or3A_285 = arith.ori %gt3A_280, %and3A_284 : vector<1x2048xi1>
    %convert_element_type3A_286 = arith.extui %or3A_285 : vector<1x2048xi1> to vector<1x2048xi32>
    %add3A_287 = arith.addi %add3A_279, %convert_element_type3A_286 : vector<1x2048xi32>
    %jit3A_288 = arith.constant 4 : i32
    %div3A_289 = vector.broadcast %jit3A_288 : i32 to vector<16x2048xi32>
    %div3A_290 = arith.divsi %iota3A, %div3A_289 : vector<16x2048xi32>
    %sign3A_291 = arith.constant 0 : i32
    %sign3A_292 = vector.broadcast %sign3A_291 : i32 to vector<16x2048xi32>
    %sign3A_293 = arith.cmpi sgt, %iota3A, %sign3A_292 : vector<16x2048xi32>
    %sign3A_294 = arith.extui %sign3A_293 : vector<16x2048xi1> to vector<16x2048xi32>
    %sign3A_295 = arith.constant 0 : i32
    %sign3A_296 = vector.broadcast %sign3A_295 : i32 to vector<16x2048xi32>
    %sign3A_297 = arith.cmpi slt, %iota3A, %sign3A_296 : vector<16x2048xi32>
    %sign3A_298 = arith.extui %sign3A_297 : vector<16x2048xi1> to vector<16x2048xi32>
    %sign3A_299 = arith.subi %sign3A_294, %sign3A_298 : vector<16x2048xi32>
    %sign3A_300 = arith.constant 0 : i32
    %sign3A_301 = arith.cmpi sgt, %jit3A_288, %sign3A_300 : i32
    %sign3A_302 = arith.extui %sign3A_301 : i1 to i32
    %sign3A_303 = arith.constant 0 : i32
    %sign3A_304 = arith.cmpi slt, %jit3A_288, %sign3A_303 : i32
    %sign3A_305 = arith.extui %sign3A_304 : i1 to i32
    %sign3A_306 = arith.subi %sign3A_302, %sign3A_305 : i32
    %ne3A_307 = vector.broadcast %sign3A_306 : i32 to vector<16x2048xi32>
    %ne3A_308 = arith.cmpi ne, %sign3A_299, %ne3A_307 : vector<16x2048xi32>
    %rem3A_309 = vector.broadcast %jit3A_288 : i32 to vector<16x2048xi32>
    %rem3A_310 = arith.remsi %iota3A, %rem3A_309 : vector<16x2048xi32>
    %ne3A_311 = arith.constant 0 : i32
    %ne3A_312 = vector.broadcast %ne3A_311 : i32 to vector<16x2048xi32>
    %ne3A_313 = arith.cmpi ne, %rem3A_310, %ne3A_312 : vector<16x2048xi32>
    %and3A_314 = arith.andi %ne3A_308, %ne3A_313 : vector<16x2048xi1>
    %sub3A_315 = arith.constant 1 : i32
    %sub3A_316 = vector.broadcast %sub3A_315 : i32 to vector<16x2048xi32>
    %sub3A_317 = arith.subi %div3A_290, %sub3A_316 : vector<16x2048xi32>
    %select_n3A_318 = arith.select %and3A_314, %sub3A_317, %div3A_290 : vector<16x2048xi1>, vector<16x2048xi32>
    %eq3A_319 = arith.constant 3 : i32
    %eq3A_320 = vector.broadcast %eq3A_319 : i32 to vector<16x2048xi32>
    %eq3A_321 = arith.cmpi eq, %select_n3A_318, %eq3A_320 : vector<16x2048xi32>
    %lt3A_322 = arith.constant 2 : i32
    %lt3A_323 = vector.broadcast %lt3A_322 : i32 to vector<1x2048xi32>
    %lt3A_324 = arith.cmpi slt, %add3A_287, %lt3A_323 : vector<1x2048xi32>
    %and3A_325 = vector.broadcast %lt3A_324 : vector<1x2048xi1> to vector<16x2048xi1>
    %and3A_326 = arith.andi %eq3A_321, %and3A_325 : vector<16x2048xi1>
    %or3A_327 = arith.ori %or3A_261, %and3A_326 : vector<16x2048xi1>
    %jit3A_328 = arith.constant -1.000000e+30 : f32
    %broadcast_in_dim3A_329 = vector.broadcast %jit3A_328 : f32 to vector<16x2048xf32>
    %select_n3A_330 = arith.select %or3A_327, %add3A_16, %broadcast_in_dim3A_329 : vector<16x2048xi1>, vector<16x2048xf32>
    %broadcast_in_dim3A_331 = arith.constant 0 : i32
    %broadcast_in_dim3A_332 = vector.broadcast %broadcast_in_dim3A_331 : i32 to vector<16x2048xi32>
    %slice3A_333 = vector.extract_strided_slice %select_n3A_330 {offsets = [0, 0], sizes = [1, 2048], strides = [1, 1]} : vector<16x2048xf32> to vector<1x2048xf32>
    %gt3A_334 = vector.broadcast %slice3A_333 : vector<1x2048xf32> to vector<16x2048xf32>
    %gt3A_335 = arith.cmpf ogt, %gt3A_334, %select_n3A_330 : vector<16x2048xf32>
    %eq3A_336 = vector.broadcast %slice3A_333 : vector<1x2048xf32> to vector<16x2048xf32>
    %eq3A_337 = arith.cmpf oeq, %eq3A_336, %select_n3A_330 : vector<16x2048xf32>
    %gt3A_338 = arith.constant 0 : i32
    %gt3A_339 = vector.broadcast %gt3A_338 : i32 to vector<16x2048xi32>
    %gt3A_340 = arith.cmpi sgt, %iota3A, %gt3A_339 : vector<16x2048xi32>
    %and3A_341 = arith.andi %eq3A_337, %gt3A_340 : vector<16x2048xi1>
    %or3A_342 = arith.ori %gt3A_335, %and3A_341 : vector<16x2048xi1>
    %convert_element_type3A_343 = arith.extui %or3A_342 : vector<16x2048xi1> to vector<16x2048xi32>
    %add3A_344 = arith.addi %broadcast_in_dim3A_332, %convert_element_type3A_343 : vector<16x2048xi32>
    %slice3A_345 = vector.extract_strided_slice %select_n3A_330 {offsets = [1, 0], sizes = [1, 2048], strides = [1, 1]} : vector<16x2048xf32> to vector<1x2048xf32>
    %gt3A_346 = vector.broadcast %slice3A_345 : vector<1x2048xf32> to vector<16x2048xf32>
    %gt3A_347 = arith.cmpf ogt, %gt3A_346, %select_n3A_330 : vector<16x2048xf32>
    %eq3A_348 = vector.broadcast %slice3A_345 : vector<1x2048xf32> to vector<16x2048xf32>
    %eq3A_349 = arith.cmpf oeq, %eq3A_348, %select_n3A_330 : vector<16x2048xf32>
    %gt3A_350 = arith.constant 1 : i32
    %gt3A_351 = vector.broadcast %gt3A_350 : i32 to vector<16x2048xi32>
    %gt3A_352 = arith.cmpi sgt, %iota3A, %gt3A_351 : vector<16x2048xi32>
    %and3A_353 = arith.andi %eq3A_349, %gt3A_352 : vector<16x2048xi1>
    %or3A_354 = arith.ori %gt3A_347, %and3A_353 : vector<16x2048xi1>
    %convert_element_type3A_355 = arith.extui %or3A_354 : vector<16x2048xi1> to vector<16x2048xi32>
    %add3A_356 = arith.addi %add3A_344, %convert_element_type3A_355 : vector<16x2048xi32>
    %slice3A_357 = vector.extract_strided_slice %select_n3A_330 {offsets = [2, 0], sizes = [1, 2048], strides = [1, 1]} : vector<16x2048xf32> to vector<1x2048xf32>
    %gt3A_358 = vector.broadcast %slice3A_357 : vector<1x2048xf32> to vector<16x2048xf32>
    %gt3A_359 = arith.cmpf ogt, %gt3A_358, %select_n3A_330 : vector<16x2048xf32>
    %eq3A_360 = vector.broadcast %slice3A_357 : vector<1x2048xf32> to vector<16x2048xf32>
    %eq3A_361 = arith.cmpf oeq, %eq3A_360, %select_n3A_330 : vector<16x2048xf32>
    %gt3A_362 = arith.constant 2 : i32
    %gt3A_363 = vector.broadcast %gt3A_362 : i32 to vector<16x2048xi32>
    %gt3A_364 = arith.cmpi sgt, %iota3A, %gt3A_363 : vector<16x2048xi32>
    %and3A_365 = arith.andi %eq3A_361, %gt3A_364 : vector<16x2048xi1>
    %or3A_366 = arith.ori %gt3A_359, %and3A_365 : vector<16x2048xi1>
    %convert_element_type3A_367 = arith.extui %or3A_366 : vector<16x2048xi1> to vector<16x2048xi32>
    %add3A_368 = arith.addi %add3A_356, %convert_element_type3A_367 : vector<16x2048xi32>
    %slice3A_369 = vector.extract_strided_slice %select_n3A_330 {offsets = [3, 0], sizes = [1, 2048], strides = [1, 1]} : vector<16x2048xf32> to vector<1x2048xf32>
    %gt3A_370 = vector.broadcast %slice3A_369 : vector<1x2048xf32> to vector<16x2048xf32>
    %gt3A_371 = arith.cmpf ogt, %gt3A_370, %select_n3A_330 : vector<16x2048xf32>
    %eq3A_372 = vector.broadcast %slice3A_369 : vector<1x2048xf32> to vector<16x2048xf32>
    %eq3A_373 = arith.cmpf oeq, %eq3A_372, %select_n3A_330 : vector<16x2048xf32>
    %gt3A_374 = arith.constant 3 : i32
    %gt3A_375 = vector.broadcast %gt3A_374 : i32 to vector<16x2048xi32>
    %gt3A_376 = arith.cmpi sgt, %iota3A, %gt3A_375 : vector<16x2048xi32>
    %and3A_377 = arith.andi %eq3A_373, %gt3A_376 : vector<16x2048xi1>
    %or3A_378 = arith.ori %gt3A_371, %and3A_377 : vector<16x2048xi1>
    %convert_element_type3A_379 = arith.extui %or3A_378 : vector<16x2048xi1> to vector<16x2048xi32>
    %add3A_380 = arith.addi %add3A_368, %convert_element_type3A_379 : vector<16x2048xi32>
    %slice3A_381 = vector.extract_strided_slice %select_n3A_330 {offsets = [4, 0], sizes = [1, 2048], strides = [1, 1]} : vector<16x2048xf32> to vector<1x2048xf32>
    %gt3A_382 = vector.broadcast %slice3A_381 : vector<1x2048xf32> to vector<16x2048xf32>
    %gt3A_383 = arith.cmpf ogt, %gt3A_382, %select_n3A_330 : vector<16x2048xf32>
    %eq3A_384 = vector.broadcast %slice3A_381 : vector<1x2048xf32> to vector<16x2048xf32>
    %eq3A_385 = arith.cmpf oeq, %eq3A_384, %select_n3A_330 : vector<16x2048xf32>
    %gt3A_386 = arith.constant 4 : i32
    %gt3A_387 = vector.broadcast %gt3A_386 : i32 to vector<16x2048xi32>
    %gt3A_388 = arith.cmpi sgt, %iota3A, %gt3A_387 : vector<16x2048xi32>
    %and3A_389 = arith.andi %eq3A_385, %gt3A_388 : vector<16x2048xi1>
    %or3A_390 = arith.ori %gt3A_383, %and3A_389 : vector<16x2048xi1>
    %convert_element_type3A_391 = arith.extui %or3A_390 : vector<16x2048xi1> to vector<16x2048xi32>
    %add3A_392 = arith.addi %add3A_380, %convert_element_type3A_391 : vector<16x2048xi32>
    %slice3A_393 = vector.extract_strided_slice %select_n3A_330 {offsets = [5, 0], sizes = [1, 2048], strides = [1, 1]} : vector<16x2048xf32> to vector<1x2048xf32>
    %gt3A_394 = vector.broadcast %slice3A_393 : vector<1x2048xf32> to vector<16x2048xf32>
    %gt3A_395 = arith.cmpf ogt, %gt3A_394, %select_n3A_330 : vector<16x2048xf32>
    %eq3A_396 = vector.broadcast %slice3A_393 : vector<1x2048xf32> to vector<16x2048xf32>
    %eq3A_397 = arith.cmpf oeq, %eq3A_396, %select_n3A_330 : vector<16x2048xf32>
    %gt3A_398 = arith.constant 5 : i32
    %gt3A_399 = vector.broadcast %gt3A_398 : i32 to vector<16x2048xi32>
    %gt3A_400 = arith.cmpi sgt, %iota3A, %gt3A_399 : vector<16x2048xi32>
    %and3A_401 = arith.andi %eq3A_397, %gt3A_400 : vector<16x2048xi1>
    %or3A_402 = arith.ori %gt3A_395, %and3A_401 : vector<16x2048xi1>
    %convert_element_type3A_403 = arith.extui %or3A_402 : vector<16x2048xi1> to vector<16x2048xi32>
    %add3A_404 = arith.addi %add3A_392, %convert_element_type3A_403 : vector<16x2048xi32>
    %slice3A_405 = vector.extract_strided_slice %select_n3A_330 {offsets = [6, 0], sizes = [1, 2048], strides = [1, 1]} : vector<16x2048xf32> to vector<1x2048xf32>
    %gt3A_406 = vector.broadcast %slice3A_405 : vector<1x2048xf32> to vector<16x2048xf32>
    %gt3A_407 = arith.cmpf ogt, %gt3A_406, %select_n3A_330 : vector<16x2048xf32>
    %eq3A_408 = vector.broadcast %slice3A_405 : vector<1x2048xf32> to vector<16x2048xf32>
    %eq3A_409 = arith.cmpf oeq, %eq3A_408, %select_n3A_330 : vector<16x2048xf32>
    %gt3A_410 = arith.constant 6 : i32
    %gt3A_411 = vector.broadcast %gt3A_410 : i32 to vector<16x2048xi32>
    %gt3A_412 = arith.cmpi sgt, %iota3A, %gt3A_411 : vector<16x2048xi32>
    %and3A_413 = arith.andi %eq3A_409, %gt3A_412 : vector<16x2048xi1>
    %or3A_414 = arith.ori %gt3A_407, %and3A_413 : vector<16x2048xi1>
    %convert_element_type3A_415 = arith.extui %or3A_414 : vector<16x2048xi1> to vector<16x2048xi32>
    %add3A_416 = arith.addi %add3A_404, %convert_element_type3A_415 : vector<16x2048xi32>
    %slice3A_417 = vector.extract_strided_slice %select_n3A_330 {offsets = [7, 0], sizes = [1, 2048], strides = [1, 1]} : vector<16x2048xf32> to vector<1x2048xf32>
    %gt3A_418 = vector.broadcast %slice3A_417 : vector<1x2048xf32> to vector<16x2048xf32>
    %gt3A_419 = arith.cmpf ogt, %gt3A_418, %select_n3A_330 : vector<16x2048xf32>
    %eq3A_420 = vector.broadcast %slice3A_417 : vector<1x2048xf32> to vector<16x2048xf32>
    %eq3A_421 = arith.cmpf oeq, %eq3A_420, %select_n3A_330 : vector<16x2048xf32>
    %gt3A_422 = arith.constant 7 : i32
    %gt3A_423 = vector.broadcast %gt3A_422 : i32 to vector<16x2048xi32>
    %gt3A_424 = arith.cmpi sgt, %iota3A, %gt3A_423 : vector<16x2048xi32>
    %and3A_425 = arith.andi %eq3A_421, %gt3A_424 : vector<16x2048xi1>
    %or3A_426 = arith.ori %gt3A_419, %and3A_425 : vector<16x2048xi1>
    %convert_element_type3A_427 = arith.extui %or3A_426 : vector<16x2048xi1> to vector<16x2048xi32>
    %add3A_428 = arith.addi %add3A_416, %convert_element_type3A_427 : vector<16x2048xi32>
    %slice3A_429 = vector.extract_strided_slice %select_n3A_330 {offsets = [8, 0], sizes = [1, 2048], strides = [1, 1]} : vector<16x2048xf32> to vector<1x2048xf32>
    %gt3A_430 = vector.broadcast %slice3A_429 : vector<1x2048xf32> to vector<16x2048xf32>
    %gt3A_431 = arith.cmpf ogt, %gt3A_430, %select_n3A_330 : vector<16x2048xf32>
    %eq3A_432 = vector.broadcast %slice3A_429 : vector<1x2048xf32> to vector<16x2048xf32>
    %eq3A_433 = arith.cmpf oeq, %eq3A_432, %select_n3A_330 : vector<16x2048xf32>
    %gt3A_434 = arith.constant 8 : i32
    %gt3A_435 = vector.broadcast %gt3A_434 : i32 to vector<16x2048xi32>
    %gt3A_436 = arith.cmpi sgt, %iota3A, %gt3A_435 : vector<16x2048xi32>
    %and3A_437 = arith.andi %eq3A_433, %gt3A_436 : vector<16x2048xi1>
    %or3A_438 = arith.ori %gt3A_431, %and3A_437 : vector<16x2048xi1>
    %convert_element_type3A_439 = arith.extui %or3A_438 : vector<16x2048xi1> to vector<16x2048xi32>
    %add3A_440 = arith.addi %add3A_428, %convert_element_type3A_439 : vector<16x2048xi32>
    %slice3A_441 = vector.extract_strided_slice %select_n3A_330 {offsets = [9, 0], sizes = [1, 2048], strides = [1, 1]} : vector<16x2048xf32> to vector<1x2048xf32>
    %gt3A_442 = vector.broadcast %slice3A_441 : vector<1x2048xf32> to vector<16x2048xf32>
    %gt3A_443 = arith.cmpf ogt, %gt3A_442, %select_n3A_330 : vector<16x2048xf32>
    %eq3A_444 = vector.broadcast %slice3A_441 : vector<1x2048xf32> to vector<16x2048xf32>
    %eq3A_445 = arith.cmpf oeq, %eq3A_444, %select_n3A_330 : vector<16x2048xf32>
    %gt3A_446 = arith.constant 9 : i32
    %gt3A_447 = vector.broadcast %gt3A_446 : i32 to vector<16x2048xi32>
    %gt3A_448 = arith.cmpi sgt, %iota3A, %gt3A_447 : vector<16x2048xi32>
    %and3A_449 = arith.andi %eq3A_445, %gt3A_448 : vector<16x2048xi1>
    %or3A_450 = arith.ori %gt3A_443, %and3A_449 : vector<16x2048xi1>
    %convert_element_type3A_451 = arith.extui %or3A_450 : vector<16x2048xi1> to vector<16x2048xi32>
    %add3A_452 = arith.addi %add3A_440, %convert_element_type3A_451 : vector<16x2048xi32>
    %slice3A_453 = vector.extract_strided_slice %select_n3A_330 {offsets = [10, 0], sizes = [1, 2048], strides = [1, 1]} : vector<16x2048xf32> to vector<1x2048xf32>
    %gt3A_454 = vector.broadcast %slice3A_453 : vector<1x2048xf32> to vector<16x2048xf32>
    %gt3A_455 = arith.cmpf ogt, %gt3A_454, %select_n3A_330 : vector<16x2048xf32>
    %eq3A_456 = vector.broadcast %slice3A_453 : vector<1x2048xf32> to vector<16x2048xf32>
    %eq3A_457 = arith.cmpf oeq, %eq3A_456, %select_n3A_330 : vector<16x2048xf32>
    %gt3A_458 = arith.constant 10 : i32
    %gt3A_459 = vector.broadcast %gt3A_458 : i32 to vector<16x2048xi32>
    %gt3A_460 = arith.cmpi sgt, %iota3A, %gt3A_459 : vector<16x2048xi32>
    %and3A_461 = arith.andi %eq3A_457, %gt3A_460 : vector<16x2048xi1>
    %or3A_462 = arith.ori %gt3A_455, %and3A_461 : vector<16x2048xi1>
    %convert_element_type3A_463 = arith.extui %or3A_462 : vector<16x2048xi1> to vector<16x2048xi32>
    %add3A_464 = arith.addi %add3A_452, %convert_element_type3A_463 : vector<16x2048xi32>
    %slice3A_465 = vector.extract_strided_slice %select_n3A_330 {offsets = [11, 0], sizes = [1, 2048], strides = [1, 1]} : vector<16x2048xf32> to vector<1x2048xf32>
    %gt3A_466 = vector.broadcast %slice3A_465 : vector<1x2048xf32> to vector<16x2048xf32>
    %gt3A_467 = arith.cmpf ogt, %gt3A_466, %select_n3A_330 : vector<16x2048xf32>
    %eq3A_468 = vector.broadcast %slice3A_465 : vector<1x2048xf32> to vector<16x2048xf32>
    %eq3A_469 = arith.cmpf oeq, %eq3A_468, %select_n3A_330 : vector<16x2048xf32>
    %gt3A_470 = arith.constant 11 : i32
    %gt3A_471 = vector.broadcast %gt3A_470 : i32 to vector<16x2048xi32>
    %gt3A_472 = arith.cmpi sgt, %iota3A, %gt3A_471 : vector<16x2048xi32>
    %and3A_473 = arith.andi %eq3A_469, %gt3A_472 : vector<16x2048xi1>
    %or3A_474 = arith.ori %gt3A_467, %and3A_473 : vector<16x2048xi1>
    %convert_element_type3A_475 = arith.extui %or3A_474 : vector<16x2048xi1> to vector<16x2048xi32>
    %add3A_476 = arith.addi %add3A_464, %convert_element_type3A_475 : vector<16x2048xi32>
    %slice3A_477 = vector.extract_strided_slice %select_n3A_330 {offsets = [12, 0], sizes = [1, 2048], strides = [1, 1]} : vector<16x2048xf32> to vector<1x2048xf32>
    %gt3A_478 = vector.broadcast %slice3A_477 : vector<1x2048xf32> to vector<16x2048xf32>
    %gt3A_479 = arith.cmpf ogt, %gt3A_478, %select_n3A_330 : vector<16x2048xf32>
    %eq3A_480 = vector.broadcast %slice3A_477 : vector<1x2048xf32> to vector<16x2048xf32>
    %eq3A_481 = arith.cmpf oeq, %eq3A_480, %select_n3A_330 : vector<16x2048xf32>
    %gt3A_482 = arith.constant 12 : i32
    %gt3A_483 = vector.broadcast %gt3A_482 : i32 to vector<16x2048xi32>
    %gt3A_484 = arith.cmpi sgt, %iota3A, %gt3A_483 : vector<16x2048xi32>
    %and3A_485 = arith.andi %eq3A_481, %gt3A_484 : vector<16x2048xi1>
    %or3A_486 = arith.ori %gt3A_479, %and3A_485 : vector<16x2048xi1>
    %convert_element_type3A_487 = arith.extui %or3A_486 : vector<16x2048xi1> to vector<16x2048xi32>
    %add3A_488 = arith.addi %add3A_476, %convert_element_type3A_487 : vector<16x2048xi32>
    %slice3A_489 = vector.extract_strided_slice %select_n3A_330 {offsets = [13, 0], sizes = [1, 2048], strides = [1, 1]} : vector<16x2048xf32> to vector<1x2048xf32>
    %gt3A_490 = vector.broadcast %slice3A_489 : vector<1x2048xf32> to vector<16x2048xf32>
    %gt3A_491 = arith.cmpf ogt, %gt3A_490, %select_n3A_330 : vector<16x2048xf32>
    %eq3A_492 = vector.broadcast %slice3A_489 : vector<1x2048xf32> to vector<16x2048xf32>
    %eq3A_493 = arith.cmpf oeq, %eq3A_492, %select_n3A_330 : vector<16x2048xf32>
    %gt3A_494 = arith.constant 13 : i32
    %gt3A_495 = vector.broadcast %gt3A_494 : i32 to vector<16x2048xi32>
    %gt3A_496 = arith.cmpi sgt, %iota3A, %gt3A_495 : vector<16x2048xi32>
    %and3A_497 = arith.andi %eq3A_493, %gt3A_496 : vector<16x2048xi1>
    %or3A_498 = arith.ori %gt3A_491, %and3A_497 : vector<16x2048xi1>
    %convert_element_type3A_499 = arith.extui %or3A_498 : vector<16x2048xi1> to vector<16x2048xi32>
    %add3A_500 = arith.addi %add3A_488, %convert_element_type3A_499 : vector<16x2048xi32>
    %slice3A_501 = vector.extract_strided_slice %select_n3A_330 {offsets = [14, 0], sizes = [1, 2048], strides = [1, 1]} : vector<16x2048xf32> to vector<1x2048xf32>
    %gt3A_502 = vector.broadcast %slice3A_501 : vector<1x2048xf32> to vector<16x2048xf32>
    %gt3A_503 = arith.cmpf ogt, %gt3A_502, %select_n3A_330 : vector<16x2048xf32>
    %eq3A_504 = vector.broadcast %slice3A_501 : vector<1x2048xf32> to vector<16x2048xf32>
    %eq3A_505 = arith.cmpf oeq, %eq3A_504, %select_n3A_330 : vector<16x2048xf32>
    %gt3A_506 = arith.constant 14 : i32
    %gt3A_507 = vector.broadcast %gt3A_506 : i32 to vector<16x2048xi32>
    %gt3A_508 = arith.cmpi sgt, %iota3A, %gt3A_507 : vector<16x2048xi32>
    %and3A_509 = arith.andi %eq3A_505, %gt3A_508 : vector<16x2048xi1>
    %or3A_510 = arith.ori %gt3A_503, %and3A_509 : vector<16x2048xi1>
    %convert_element_type3A_511 = arith.extui %or3A_510 : vector<16x2048xi1> to vector<16x2048xi32>
    %add3A_512 = arith.addi %add3A_500, %convert_element_type3A_511 : vector<16x2048xi32>
    %slice3A_513 = vector.extract_strided_slice %select_n3A_330 {offsets = [15, 0], sizes = [1, 2048], strides = [1, 1]} : vector<16x2048xf32> to vector<1x2048xf32>
    %gt3A_514 = vector.broadcast %slice3A_513 : vector<1x2048xf32> to vector<16x2048xf32>
    %gt3A_515 = arith.cmpf ogt, %gt3A_514, %select_n3A_330 : vector<16x2048xf32>
    %eq3A_516 = vector.broadcast %slice3A_513 : vector<1x2048xf32> to vector<16x2048xf32>
    %eq3A_517 = arith.cmpf oeq, %eq3A_516, %select_n3A_330 : vector<16x2048xf32>
    %gt3A_518 = arith.constant 15 : i32
    %gt3A_519 = vector.broadcast %gt3A_518 : i32 to vector<16x2048xi32>
    %gt3A_520 = arith.cmpi sgt, %iota3A, %gt3A_519 : vector<16x2048xi32>
    %and3A_521 = arith.andi %eq3A_517, %gt3A_520 : vector<16x2048xi1>
    %or3A_522 = arith.ori %gt3A_515, %and3A_521 : vector<16x2048xi1>
    %convert_element_type3A_523 = arith.extui %or3A_522 : vector<16x2048xi1> to vector<16x2048xi32>
    %add3A_524 = arith.addi %add3A_512, %convert_element_type3A_523 : vector<16x2048xi32>
    %lt3A_525 = arith.constant 2 : i32
    %lt3A_526 = vector.broadcast %lt3A_525 : i32 to vector<16x2048xi32>
    %lt3A_527 = arith.cmpi slt, %add3A_524, %lt3A_526 : vector<16x2048xi32>
    %jit3A_528 = arith.constant 0.000000e+00 : f32
    %broadcast_in_dim3A_529 = vector.broadcast %jit3A_528 : f32 to vector<16x2048xf32>
    %select_n3A_530 = arith.select %lt3A_527, %div3A_11, %broadcast_in_dim3A_529 : vector<16x2048xi1>, vector<16x2048xf32>
    %reduce_sum3A = arith.constant dense<0.000000e+00> : vector<2048xf32>
    %reduce_sum3A_531 = vector.multi_reduction <add>, %select_n3A_530, %reduce_sum3A [0] : vector<16x2048xf32> to vector<2048xf32>
    %broadcast_in_dim3A_532 = vector.shape_cast %reduce_sum3A_531 : vector<2048xf32> to vector<1x2048xf32>
    %add3A_533 = arith.constant 9.99999997E-7 : f32
    %add3A_534 = vector.broadcast %add3A_533 : f32 to vector<1x2048xf32>
    %add3A_535 = arith.addf %broadcast_in_dim3A_532, %add3A_534 : vector<1x2048xf32>
    %div3A_536 = vector.broadcast %add3A_535 : vector<1x2048xf32> to vector<16x2048xf32>
    %div3A_537 = arith.divf %select_n3A_530, %div3A_536 : vector<16x2048xf32>
    %mul3A = arith.constant 1.000000e+00 : f32
    %mul3A_538 = vector.broadcast %mul3A : f32 to vector<16x2048xf32>
    %mul3A_539 = arith.mulf %div3A_537, %mul3A_538 : vector<16x2048xf32>
    %convert_element_type3A_540 = arith.extui %lt3A_527 : vector<16x2048xi1> to vector<16x2048xi32>
    %convert_element_type3A_541 = arith.sitofp %convert_element_type3A_540 : vector<16x2048xi32> to vector<16x2048xf32>
    %broadcast_in_dim3A_542 = arith.constant 0.000000e+00 : f32
    %broadcast_in_dim3A_543 = vector.broadcast %broadcast_in_dim3A_542 : f32 to vector<16x1xf32>
    %slice3A_544 = vector.extract_strided_slice %convert_element_type3A_541 {offsets = [0, 0], sizes = [16, 2047], strides = [1, 1]} : vector<16x2048xf32> to vector<16x2047xf32>
    %concatenate3A = tpu.concatenate %broadcast_in_dim3A_543, %slice3A_544 in 1 : vector<16x1xf32>, vector<16x2047xf32> -> vector<16x2048xf32>
    %add3A_545 = arith.addf %convert_element_type3A_541, %concatenate3A : vector<16x2048xf32>
    %broadcast_in_dim3A_546 = arith.constant 0.000000e+00 : f32
    %broadcast_in_dim3A_547 = vector.broadcast %broadcast_in_dim3A_546 : f32 to vector<16x2xf32>
    %slice3A_548 = vector.extract_strided_slice %add3A_545 {offsets = [0, 0], sizes = [16, 2046], strides = [1, 1]} : vector<16x2048xf32> to vector<16x2046xf32>
    %concatenate3A_549 = tpu.concatenate %broadcast_in_dim3A_547, %slice3A_548 in 1 : vector<16x2xf32>, vector<16x2046xf32> -> vector<16x2048xf32>
    %add3A_550 = arith.addf %add3A_545, %concatenate3A_549 : vector<16x2048xf32>
    %broadcast_in_dim3A_551 = arith.constant 0.000000e+00 : f32
    %broadcast_in_dim3A_552 = vector.broadcast %broadcast_in_dim3A_551 : f32 to vector<16x4xf32>
    %slice3A_553 = vector.extract_strided_slice %add3A_550 {offsets = [0, 0], sizes = [16, 2044], strides = [1, 1]} : vector<16x2048xf32> to vector<16x2044xf32>
    %concatenate3A_554 = tpu.concatenate %broadcast_in_dim3A_552, %slice3A_553 in 1 : vector<16x4xf32>, vector<16x2044xf32> -> vector<16x2048xf32>
    %add3A_555 = arith.addf %add3A_550, %concatenate3A_554 : vector<16x2048xf32>
    %broadcast_in_dim3A_556 = arith.constant 0.000000e+00 : f32
    %broadcast_in_dim3A_557 = vector.broadcast %broadcast_in_dim3A_556 : f32 to vector<16x8xf32>
    %slice3A_558 = vector.extract_strided_slice %add3A_555 {offsets = [0, 0], sizes = [16, 2040], strides = [1, 1]} : vector<16x2048xf32> to vector<16x2040xf32>
    %concatenate3A_559 = tpu.concatenate %broadcast_in_dim3A_557, %slice3A_558 in 1 : vector<16x8xf32>, vector<16x2040xf32> -> vector<16x2048xf32>
    %add3A_560 = arith.addf %add3A_555, %concatenate3A_559 : vector<16x2048xf32>
    %broadcast_in_dim3A_561 = arith.constant 0.000000e+00 : f32
    %broadcast_in_dim3A_562 = vector.broadcast %broadcast_in_dim3A_561 : f32 to vector<16x16xf32>
    %slice3A_563 = vector.extract_strided_slice %add3A_560 {offsets = [0, 0], sizes = [16, 2032], strides = [1, 1]} : vector<16x2048xf32> to vector<16x2032xf32>
    %concatenate3A_564 = tpu.concatenate %broadcast_in_dim3A_562, %slice3A_563 in 1 : vector<16x16xf32>, vector<16x2032xf32> -> vector<16x2048xf32>
    %add3A_565 = arith.addf %add3A_560, %concatenate3A_564 : vector<16x2048xf32>
    %broadcast_in_dim3A_566 = arith.constant 0.000000e+00 : f32
    %broadcast_in_dim3A_567 = vector.broadcast %broadcast_in_dim3A_566 : f32 to vector<16x32xf32>
    %slice3A_568 = vector.extract_strided_slice %add3A_565 {offsets = [0, 0], sizes = [16, 2016], strides = [1, 1]} : vector<16x2048xf32> to vector<16x2016xf32>
    %concatenate3A_569 = tpu.concatenate %broadcast_in_dim3A_567, %slice3A_568 in 1 : vector<16x32xf32>, vector<16x2016xf32> -> vector<16x2048xf32>
    %add3A_570 = arith.addf %add3A_565, %concatenate3A_569 : vector<16x2048xf32>
    %broadcast_in_dim3A_571 = arith.constant 0.000000e+00 : f32
    %broadcast_in_dim3A_572 = vector.broadcast %broadcast_in_dim3A_571 : f32 to vector<16x64xf32>
    %slice3A_573 = vector.extract_strided_slice %add3A_570 {offsets = [0, 0], sizes = [16, 1984], strides = [1, 1]} : vector<16x2048xf32> to vector<16x1984xf32>
    %concatenate3A_574 = tpu.concatenate %broadcast_in_dim3A_572, %slice3A_573 in 1 : vector<16x64xf32>, vector<16x1984xf32> -> vector<16x2048xf32>
    %add3A_575 = arith.addf %add3A_570, %concatenate3A_574 : vector<16x2048xf32>
    %broadcast_in_dim3A_576 = arith.constant 0.000000e+00 : f32
    %broadcast_in_dim3A_577 = vector.broadcast %broadcast_in_dim3A_576 : f32 to vector<16x128xf32>
    %slice3A_578 = vector.extract_strided_slice %add3A_575 {offsets = [0, 0], sizes = [16, 1920], strides = [1, 1]} : vector<16x2048xf32> to vector<16x1920xf32>
    %concatenate3A_579 = tpu.concatenate %broadcast_in_dim3A_577, %slice3A_578 in 1 : vector<16x128xf32>, vector<16x1920xf32> -> vector<16x2048xf32>
    %add3A_580 = arith.addf %add3A_575, %concatenate3A_579 : vector<16x2048xf32>
    %broadcast_in_dim3A_581 = arith.constant 0.000000e+00 : f32
    %broadcast_in_dim3A_582 = vector.broadcast %broadcast_in_dim3A_581 : f32 to vector<16x256xf32>
    %slice3A_583 = vector.extract_strided_slice %add3A_580 {offsets = [0, 0], sizes = [16, 1792], strides = [1, 1]} : vector<16x2048xf32> to vector<16x1792xf32>
    %concatenate3A_584 = tpu.concatenate %broadcast_in_dim3A_582, %slice3A_583 in 1 : vector<16x256xf32>, vector<16x1792xf32> -> vector<16x2048xf32>
    %add3A_585 = arith.addf %add3A_580, %concatenate3A_584 : vector<16x2048xf32>
    %broadcast_in_dim3A_586 = arith.constant 0.000000e+00 : f32
    %broadcast_in_dim3A_587 = vector.broadcast %broadcast_in_dim3A_586 : f32 to vector<16x512xf32>
    %slice3A_588 = vector.extract_strided_slice %add3A_585 {offsets = [0, 0], sizes = [16, 1536], strides = [1, 1]} : vector<16x2048xf32> to vector<16x1536xf32>
    %concatenate3A_589 = tpu.concatenate %broadcast_in_dim3A_587, %slice3A_588 in 1 : vector<16x512xf32>, vector<16x1536xf32> -> vector<16x2048xf32>
    %add3A_590 = arith.addf %add3A_585, %concatenate3A_589 : vector<16x2048xf32>
    %broadcast_in_dim3A_591 = arith.constant 0.000000e+00 : f32
    %broadcast_in_dim3A_592 = vector.broadcast %broadcast_in_dim3A_591 : f32 to vector<16x1024xf32>
    %slice3A_593 = vector.extract_strided_slice %add3A_590 {offsets = [0, 0], sizes = [16, 1024], strides = [1, 1]} : vector<16x2048xf32> to vector<16x1024xf32>
    %concatenate3A_594 = tpu.concatenate %broadcast_in_dim3A_592, %slice3A_593 in 1 : vector<16x1024xf32>, vector<16x1024xf32> -> vector<16x2048xf32>
    %add3A_595 = arith.addf %add3A_590, %concatenate3A_594 : vector<16x2048xf32>
    %convert_element_type3A_596 = arith.extui %lt3A_527 : vector<16x2048xi1> to vector<16x2048xi32>
    %convert_element_type3A_597 = arith.sitofp %convert_element_type3A_596 : vector<16x2048xi32> to vector<16x2048xf32>
    %sub3A_598 = arith.subf %add3A_595, %convert_element_type3A_597 : vector<16x2048xf32>
    %slice3A_599 = vector.extract_strided_slice %add3A_595 {offsets = [0, 2047], sizes = [16, 1], strides = [1, 1]} : vector<16x2048xf32> to vector<16x1xf32>
    %div3A_600 = arith.constant 2.560000e+02 : f32
    %div3A_601 = vector.broadcast %div3A_600 : f32 to vector<16x1xf32>
    %div3A_602 = arith.divf %slice3A_599, %div3A_601 : vector<16x1xf32>
    %ceil3A = math.ceil %div3A_602 : vector<16x1xf32>
    %mul3A_603 = arith.constant 2.560000e+02 : f32
    %mul3A_604 = vector.broadcast %mul3A_603 : f32 to vector<16x1xf32>
    %mul3A_605 = arith.mulf %ceil3A, %mul3A_604 : vector<16x1xf32>
    %broadcast_in_dim3A_606 = arith.constant 0.000000e+00 : f32
    %broadcast_in_dim3A_607 = vector.broadcast %broadcast_in_dim3A_606 : f32 to vector<1x1xf32>
    %slice3A_608 = vector.extract_strided_slice %mul3A_605 {offsets = [0, 0], sizes = [15, 1], strides = [1, 1]} : vector<16x1xf32> to vector<15x1xf32>
    %concatenate3A_609 = tpu.concatenate %broadcast_in_dim3A_607, %slice3A_608 in 0 : vector<1x1xf32>, vector<15x1xf32> -> vector<16x1xf32>
    %add3A_610 = arith.addf %mul3A_605, %concatenate3A_609 : vector<16x1xf32>
    %broadcast_in_dim3A_611 = arith.constant 0.000000e+00 : f32
    %broadcast_in_dim3A_612 = vector.broadcast %broadcast_in_dim3A_611 : f32 to vector<2x1xf32>
    %slice3A_613 = vector.extract_strided_slice %add3A_610 {offsets = [0, 0], sizes = [14, 1], strides = [1, 1]} : vector<16x1xf32> to vector<14x1xf32>
    %concatenate3A_614 = tpu.concatenate %broadcast_in_dim3A_612, %slice3A_613 in 0 : vector<2x1xf32>, vector<14x1xf32> -> vector<16x1xf32>
    %add3A_615 = arith.addf %add3A_610, %concatenate3A_614 : vector<16x1xf32>
    %broadcast_in_dim3A_616 = arith.constant 0.000000e+00 : f32
    %broadcast_in_dim3A_617 = vector.broadcast %broadcast_in_dim3A_616 : f32 to vector<4x1xf32>
    %slice3A_618 = vector.extract_strided_slice %add3A_615 {offsets = [0, 0], sizes = [12, 1], strides = [1, 1]} : vector<16x1xf32> to vector<12x1xf32>
    %concatenate3A_619 = tpu.concatenate %broadcast_in_dim3A_617, %slice3A_618 in 0 : vector<4x1xf32>, vector<12x1xf32> -> vector<16x1xf32>
    %add3A_620 = arith.addf %add3A_615, %concatenate3A_619 : vector<16x1xf32>
    %broadcast_in_dim3A_621 = arith.constant 0.000000e+00 : f32
    %broadcast_in_dim3A_622 = vector.broadcast %broadcast_in_dim3A_621 : f32 to vector<8x1xf32>
    %slice3A_623 = vector.extract_strided_slice %add3A_620 {offsets = [0, 0], sizes = [8, 1], strides = [1, 1]} : vector<16x1xf32> to vector<8x1xf32>
    %concatenate3A_624 = tpu.concatenate %broadcast_in_dim3A_622, %slice3A_623 in 0 : vector<8x1xf32>, vector<8x1xf32> -> vector<16x1xf32>
    %add3A_625 = arith.addf %add3A_620, %concatenate3A_624 : vector<16x1xf32>
    %sub3A_626 = arith.subf %add3A_625, %mul3A_605 : vector<16x1xf32>
    %add3A_627 = vector.broadcast %sub3A_626 : vector<16x1xf32> to vector<16x2048xf32>
    %add3A_628 = arith.addf %add3A_627, %sub3A_598 : vector<16x2048xf32>
    %eq3A_629 = arith.constant 0 : i32
    %eq3A_630 = vector.broadcast %eq3A_629 : i32 to vector<16x2048xi32>
    %eq3A_631 = arith.cmpi eq, %add3A_524, %eq3A_630 : vector<16x2048xi32>
    %and3A_632 = arith.andi %lt3A_527, %eq3A_631 : vector<16x2048xi1>
    %eq3A_633 = arith.constant 1 : i32
    %eq3A_634 = vector.broadcast %eq3A_633 : i32 to vector<16x2048xi32>
    %eq3A_635 = arith.cmpi eq, %add3A_524, %eq3A_634 : vector<16x2048xi32>
    %and3A_636 = arith.andi %lt3A_527, %eq3A_635 : vector<16x2048xi1>
    %jit3A_637 = arith.constant 0.000000e+00 : f32
    %broadcast_in_dim3A_638 = vector.broadcast %jit3A_637 : f32 to vector<16x2048xf32>
    %select_n3A_639 = arith.select %and3A_632, %add3A_628, %broadcast_in_dim3A_638 : vector<16x2048xi1>, vector<16x2048xf32>
    %reduce_sum3A_640 = arith.constant dense<0.000000e+00> : vector<2048xf32>
    %reduce_sum3A_641 = vector.multi_reduction <add>, %select_n3A_639, %reduce_sum3A_640 [0] : vector<16x2048xf32> to vector<2048xf32>
    %broadcast_in_dim3A_642 = vector.shape_cast %reduce_sum3A_641 : vector<2048xf32> to vector<1x2048xf32>
    %jit3A_643 = arith.constant 0.000000e+00 : f32
    %broadcast_in_dim3A_644 = vector.broadcast %jit3A_643 : f32 to vector<16x2048xf32>
    %select_n3A_645 = arith.select %and3A_636, %add3A_628, %broadcast_in_dim3A_644 : vector<16x2048xi1>, vector<16x2048xf32>
    %reduce_sum3A_646 = arith.constant dense<0.000000e+00> : vector<2048xf32>
    %reduce_sum3A_647 = vector.multi_reduction <add>, %select_n3A_645, %reduce_sum3A_646 [0] : vector<16x2048xf32> to vector<2048xf32>
    %broadcast_in_dim3A_648 = vector.shape_cast %reduce_sum3A_647 : vector<2048xf32> to vector<1x2048xf32>
    %jit3A_649 = arith.constant 0.000000e+00 : f32
    %broadcast_in_dim3A_650 = vector.broadcast %jit3A_649 : f32 to vector<16x2048xf32>
    %select_n3A_651 = arith.select %and3A_632, %mul3A_539, %broadcast_in_dim3A_650 : vector<16x2048xi1>, vector<16x2048xf32>
    %reduce_sum3A_652 = arith.constant dense<0.000000e+00> : vector<2048xf32>
    %reduce_sum3A_653 = vector.multi_reduction <add>, %select_n3A_651, %reduce_sum3A_652 [0] : vector<16x2048xf32> to vector<2048xf32>
    %broadcast_in_dim3A_654 = vector.shape_cast %reduce_sum3A_653 : vector<2048xf32> to vector<1x2048xf32>
    %jit3A_655 = arith.constant 0.000000e+00 : f32
    %broadcast_in_dim3A_656 = vector.broadcast %jit3A_655 : f32 to vector<16x2048xf32>
    %select_n3A_657 = arith.select %and3A_636, %mul3A_539, %broadcast_in_dim3A_656 : vector<16x2048xi1>, vector<16x2048xf32>
    %reduce_sum3A_658 = arith.constant dense<0.000000e+00> : vector<2048xf32>
    %reduce_sum3A_659 = vector.multi_reduction <add>, %select_n3A_657, %reduce_sum3A_658 [0] : vector<16x2048xf32> to vector<2048xf32>
    %broadcast_in_dim3A_660 = vector.shape_cast %reduce_sum3A_659 : vector<2048xf32> to vector<1x2048xf32>
    %transpose3A = tpu.transpose %broadcast_in_dim3A_642, [1, 0] : vector<1x2048xf32> -> vector<2048x1xf32>
    %convert_element_type3A_661 = arith.fptosi %transpose3A : vector<2048x1xf32> to vector<2048x1xi32>
    %swap3A = arith.constant 0 : index
    %swap3A_662 = arith.constant 0 : index
    %swap3A_663 = vector.load %arg3[%swap3A, %swap3A_662] : memref<2048x1xi32, #tpu.memory_space<vmem>>, vector<2048x1xi32>
    tpu.vector_store %arg3[%swap3A, %swap3A_662], %convert_element_type3A_661 {strides = array<i32>} : memref<2048x1xi32, #tpu.memory_space<vmem>>, vector<2048x1xi32>,
    %transpose3A_664 = tpu.transpose %broadcast_in_dim3A_648, [1, 0] : vector<1x2048xf32> -> vector<2048x1xf32>
    %convert_element_type3A_665 = arith.fptosi %transpose3A_664 : vector<2048x1xf32> to vector<2048x1xi32>
    %swap3A_666 = arith.constant 0 : index
    %swap3A_667 = arith.constant 0 : index
    %swap3A_668 = vector.load %arg4[%swap3A_666, %swap3A_667] : memref<2048x1xi32, #tpu.memory_space<vmem>>, vector<2048x1xi32>
    tpu.vector_store %arg4[%swap3A_666, %swap3A_667], %convert_element_type3A_665 {strides = array<i32>} : memref<2048x1xi32, #tpu.memory_space<vmem>>, vector<2048x1xi32>,
    %transpose3A_669 = tpu.transpose %broadcast_in_dim3A_654, [1, 0] : vector<1x2048xf32> -> vector<2048x1xf32>
    %swap3A_670 = arith.constant 0 : index
    %swap3A_671 = arith.constant 0 : index
    %swap3A_672 = vector.load %arg5[%swap3A_670, %swap3A_671] : memref<2048x1xf32, #tpu.memory_space<vmem>>, vector<2048x1xf32>
    tpu.vector_store %arg5[%swap3A_670, %swap3A_671], %transpose3A_669 {strides = array<i32>} : memref<2048x1xf32, #tpu.memory_space<vmem>>, vector<2048x1xf32>,
    %transpose3A_673 = tpu.transpose %broadcast_in_dim3A_660, [1, 0] : vector<1x2048xf32> -> vector<2048x1xf32>
    %swap3A_674 = arith.constant 0 : index
    %swap3A_675 = arith.constant 0 : index
    %swap3A_676 = vector.load %arg6[%swap3A_674, %swap3A_675] : memref<2048x1xf32, #tpu.memory_space<vmem>>, vector<2048x1xf32>
    tpu.vector_store %arg6[%swap3A_674, %swap3A_675], %transpose3A_673 {strides = array<i32>} : memref<2048x1xf32, #tpu.memory_space<vmem>>, vector<2048x1xf32>,
    %iota3A_677 = tpu.iota {dimensions = array<i32: 0>} : vector<32x16xi32>
    %mul3A_678 = arith.constant 256 : i32
    %mul3A_679 = vector.broadcast %mul3A_678 : i32 to vector<32x16xi32>
    %mul3A_680 = arith.muli %iota3A_677, %mul3A_679 : vector<32x16xi32>
    %convert_element_type3A_681 = arith.sitofp %mul3A_680 : vector<32x16xi32> to vector<32x16xf32>
    %transpose3A_682 = tpu.transpose %sub3A_626, [1, 0] : vector<16x1xf32> -> vector<1x16xf32>
    %broadcast_in_dim3A_683 = vector.shape_cast %transpose3A_682 : vector<1x16xf32> to vector<1x16xf32>
    %broadcast_in_dim3A_684 = vector.broadcast %broadcast_in_dim3A_683 : vector<1x16xf32> to vector<32x16xf32>
    %le3A = arith.cmpf ole, %broadcast_in_dim3A_684, %convert_element_type3A_681 : vector<32x16xf32>
    %convert_element_type3A_685 = arith.extui %le3A : vector<32x16xi1> to vector<32x16xi32>
    %reduce_sum3A_686 = arith.constant dense<0> : vector<32xi32>
    %reduce_sum3A_687 = vector.multi_reduction <add>, %convert_element_type3A_685, %reduce_sum3A_686 [1] : vector<32x16xi32> to vector<32xi32>
    %broadcast_in_dim3A_688 = vector.shape_cast %reduce_sum3A_687 : vector<32xi32> to vector<32x1xi32>
    %sub3A_689 = arith.constant 1 : i32
    %sub3A_690 = vector.broadcast %sub3A_689 : i32 to vector<32x1xi32>
    %sub3A_691 = arith.subi %broadcast_in_dim3A_688, %sub3A_690 : vector<32x1xi32>
    %jit3A_692 = arith.constant 0 : i32
    %jit3A_693 = arith.constant 15 : i32
    %max3A_694 = vector.broadcast %jit3A_692 : i32 to vector<32x1xi32>
    %max3A_695 = arith.maxsi %max3A_694, %sub3A_691 : vector<32x1xi32>
    %min3A = vector.broadcast %jit3A_693 : i32 to vector<32x1xi32>
    %min3A_696 = arith.minsi %min3A, %max3A_695 : vector<32x1xi32>
    %swap3A_697 = arith.constant 0 : index
    %swap3A_698 = arith.constant 0 : index
    %swap3A_699 = vector.load %arg7[%swap3A_697, %swap3A_698] : memref<32x1xi32, #tpu.memory_space<vmem>>, vector<32x1xi32>
    tpu.vector_store %arg7[%swap3A_697, %swap3A_698], %min3A_696 {strides = array<i32>} : memref<32x1xi32, #tpu.memory_space<vmem>>, vector<32x1xi32>,
    %reduce_sum3A_700 = arith.constant dense<0.000000e+00> : vector<1xf32>
    %reduce_sum3A_701 = vector.multi_reduction <add>, %mul3A_605, %reduce_sum3A_700 [0] : vector<16x1xf32> to vector<1xf32>
    %broadcast_in_dim3A_702 = vector.shape_cast %reduce_sum3A_701 : vector<1xf32> to vector<1x1xf32>
    %div3A_703 = arith.constant 2.560000e+02 : f32
    %div3A_704 = vector.broadcast %div3A_703 : f32 to vector<1x1xf32>
    %div3A_705 = arith.divf %broadcast_in_dim3A_702, %div3A_704 : vector<1x1xf32>
    %convert_element_type3A_706 = arith.fptosi %div3A_705 : vector<1x1xf32> to vector<1x1xi32>
    %swap3A_707 = arith.constant 0 : index
    %swap3A_708 = arith.constant 0 : index
    %swap3A_709 = vector.load %arg8[%swap3A_707, %swap3A_708] : memref<1x1xi32, #tpu.memory_space<vmem>>, vector<1x1xi32>
    tpu.vector_store %arg8[%swap3A_707, %swap3A_708], %convert_element_type3A_706 {strides = array<i32>} : memref<1x1xi32, #tpu.memory_space<vmem>>, vector<1x1xi32>,
    return
  }
}

module attributes {stable_mosaic.version = 14 : i64} {
  func.func @_shared_body(%arg0: i32, %arg1: memref<256x768xf32, #tpu.memory_space<vmem>>, %arg2: memref<512x768xf32, #tpu.memory_space<vmem>>, %arg3: memref<512x768xf32, #tpu.memory_space<vmem>>, %arg4: memref<768x512xf32, #tpu.memory_space<vmem>>, %arg5: memref<256x768xf32, #tpu.memory_space<vmem>>, %arg6: memref<256x768xf32, #tpu.memory_space<vmem>>, %arg7: memref<256x1xf32, #tpu.memory_space<vmem>>, %arg8: memref<256x1xf32, #tpu.memory_space<vmem>>, %arg9: memref<256x768xf32, #tpu.memory_space<vmem>>, %arg10: memref<512x768xbf16, #tpu.memory_space<vmem>>, %arg11: memref<512x768xbf16, #tpu.memory_space<vmem>>, %arg12: memref<768x512xbf16, #tpu.memory_space<vmem>>) attributes {dimension_semantics = [#tpu.dimension_semantics<arbitrary>], iteration_bounds = array<i64: 8>, scalar_prefetch = 0 : i64, scratch_operands = 3 : i64, tpu.core_type = #tpu.core_type<tc>, window_params = [{transform_indices = @transform_0, window_bounds = array<i64: 256, 768>}, {pipeline_mode = #tpu.pipeline_mode<synchronous>, transform_indices = @transform_1, window_bounds = array<i64: 512, 768>}, {pipeline_mode = #tpu.pipeline_mode<synchronous>, transform_indices = @transform_2, window_bounds = array<i64: 512, 768>}, {pipeline_mode = #tpu.pipeline_mode<synchronous>, transform_indices = @transform_3, window_bounds = array<i64: 768, 512>}, {transform_indices = @transform_4, window_bounds = array<i64: 256, 768>}, {transform_indices = @transform_5, window_bounds = array<i64: 256, 768>}, {transform_indices = @transform_6, window_bounds = array<i64: 256, 1>}, {transform_indices = @transform_7, window_bounds = array<i64: 256, 1>}, {transform_indices = @transform_8, window_bounds = array<i64: 256, 768>}]} {
    %eq3A = arith.constant 0 : i32
    %eq3A_0 = arith.cmpi eq, %arg0, %eq3A : i32
    %convert_element_type3A = arith.extui %eq3A_0 : i1 to i32
    %cond3A = arith.constant 0 : i32
    %cond3A_1 = arith.cmpi ne, %convert_element_type3A, %cond3A : i32
    scf.if %cond3A_1 {
      %get3A_47 = arith.constant 0 : index
      %get3A_48 = arith.constant 0 : index
      %get3A_49 = vector.load %arg2[%get3A_47, %get3A_48] : memref<512x768xf32, #tpu.memory_space<vmem>>, vector<512x768xf32>
      %convert_element_type3A_50 = arith.truncf %get3A_49 : vector<512x768xf32> to vector<512x768xbf16>
      %swap3A_51 = arith.constant 0 : index
      %swap3A_52 = arith.constant 0 : index
      %swap3A_53 = vector.load %arg10[%swap3A_51, %swap3A_52] : memref<512x768xbf16, #tpu.memory_space<vmem>>, vector<512x768xbf16>
      tpu.vector_store %arg10[%swap3A_51, %swap3A_52], %convert_element_type3A_50 {strides = array<i32>} : memref<512x768xbf16, #tpu.memory_space<vmem>>, vector<512x768xbf16>,
      %get3A_54 = arith.constant 0 : index
      %get3A_55 = arith.constant 0 : index
      %get3A_56 = vector.load %arg3[%get3A_54, %get3A_55] : memref<512x768xf32, #tpu.memory_space<vmem>>, vector<512x768xf32>
      %convert_element_type3A_57 = arith.truncf %get3A_56 : vector<512x768xf32> to vector<512x768xbf16>
      %swap3A_58 = arith.constant 0 : index
      %swap3A_59 = arith.constant 0 : index
      %swap3A_60 = vector.load %arg11[%swap3A_58, %swap3A_59] : memref<512x768xbf16, #tpu.memory_space<vmem>>, vector<512x768xbf16>
      tpu.vector_store %arg11[%swap3A_58, %swap3A_59], %convert_element_type3A_57 {strides = array<i32>} : memref<512x768xbf16, #tpu.memory_space<vmem>>, vector<512x768xbf16>,
      %get3A_61 = arith.constant 0 : index
      %get3A_62 = arith.constant 0 : index
      %get3A_63 = vector.load %arg4[%get3A_61, %get3A_62] : memref<768x512xf32, #tpu.memory_space<vmem>>, vector<768x512xf32>
      %convert_element_type3A_64 = arith.truncf %get3A_63 : vector<768x512xf32> to vector<768x512xbf16>
      %swap3A_65 = arith.constant 0 : index
      %swap3A_66 = arith.constant 0 : index
      %swap3A_67 = vector.load %arg12[%swap3A_65, %swap3A_66] : memref<768x512xbf16, #tpu.memory_space<vmem>>, vector<768x512xbf16>
      tpu.vector_store %arg12[%swap3A_65, %swap3A_66], %convert_element_type3A_64 {strides = array<i32>} : memref<768x512xbf16, #tpu.memory_space<vmem>>, vector<768x512xbf16>,
    } else {
    }
    %get3A = arith.constant 0 : index
    %get3A_2 = arith.constant 0 : index
    %get3A_3 = vector.load %arg1[%get3A, %get3A_2] : memref<256x768xf32, #tpu.memory_space<vmem>>, vector<256x768xf32>
    %convert_element_type3A_4 = arith.truncf %get3A_3 : vector<256x768xf32> to vector<256x768xbf16>
    %get3A_5 = arith.constant 0 : index
    %get3A_6 = arith.constant 0 : index
    %get3A_7 = vector.load %arg10[%get3A_5, %get3A_6] : memref<512x768xbf16, #tpu.memory_space<vmem>>, vector<512x768xbf16>
    %dot_general3A = arith.constant dense<0.000000e+00> : vector<256x512xf32>
    %dot_general3A_8 = tpu.matmul %convert_element_type3A_4, %get3A_7, %dot_general3A {dimension_numbers = #tpu.dot_dimension_numbers<[1], [1], [0], [0], [0, 0, 1, 0], [], []>, transpose_lhs_hint = false} : vector<256x768xbf16>, vector<512x768xbf16>, vector<256x512xf32> -> vector<256x512xf32>
    %get3A_9 = arith.constant 0 : index
    %get3A_10 = arith.constant 0 : index
    %get3A_11 = vector.load %arg11[%get3A_9, %get3A_10] : memref<512x768xbf16, #tpu.memory_space<vmem>>, vector<512x768xbf16>
    %dot_general3A_12 = arith.constant dense<0.000000e+00> : vector<256x512xf32>
    %dot_general3A_13 = tpu.matmul %convert_element_type3A_4, %get3A_11, %dot_general3A_12 {dimension_numbers = #tpu.dot_dimension_numbers<[1], [1], [0], [0], [0, 0, 1, 0], [], []>, transpose_lhs_hint = false} : vector<256x768xbf16>, vector<512x768xbf16>, vector<256x512xf32> -> vector<256x512xf32>
    %neg3A = arith.constant 0.000000e+00 : f32
    %neg3A_14 = vector.broadcast %neg3A : f32 to vector<256x512xf32>
    %neg3A_15 = arith.subf %neg3A_14, %dot_general3A_8 : vector<256x512xf32>
    %exp3A = math.exp %neg3A_15 : vector<256x512xf32>
    %add3A = arith.constant 1.000000e+00 : f32
    %add3A_16 = vector.broadcast %add3A : f32 to vector<256x512xf32>
    %add3A_17 = arith.addf %add3A_16, %exp3A : vector<256x512xf32>
    %div3A = arith.constant 1.000000e+00 : f32
    %div3A_18 = vector.broadcast %div3A : f32 to vector<256x512xf32>
    %div3A_19 = arith.divf %div3A_18, %add3A_17 : vector<256x512xf32>
    %mul3A = arith.mulf %dot_general3A_8, %div3A_19 : vector<256x512xf32>
    %mul3A_20 = arith.mulf %mul3A, %dot_general3A_13 : vector<256x512xf32>
    %convert_element_type3A_21 = arith.truncf %mul3A_20 : vector<256x512xf32> to vector<256x512xbf16>
    %get3A_22 = arith.constant 0 : index
    %get3A_23 = arith.constant 0 : index
    %get3A_24 = vector.load %arg12[%get3A_22, %get3A_23] : memref<768x512xbf16, #tpu.memory_space<vmem>>, vector<768x512xbf16>
    %dot_general3A_25 = arith.constant dense<0.000000e+00> : vector<256x768xf32>
    %dot_general3A_26 = tpu.matmul %convert_element_type3A_21, %get3A_24, %dot_general3A_25 {dimension_numbers = #tpu.dot_dimension_numbers<[1], [1], [0], [0], [0, 0, 1, 0], [], []>, transpose_lhs_hint = false} : vector<256x512xbf16>, vector<768x512xbf16>, vector<256x768xf32> -> vector<256x768xf32>
    %get3A_27 = arith.constant 0 : index
    %get3A_28 = arith.constant 0 : index
    %get3A_29 = vector.load %arg7[%get3A_27, %get3A_28] : memref<256x1xf32, #tpu.memory_space<vmem>>, vector<256x1xf32>
    %get3A_30 = arith.constant 0 : index
    %get3A_31 = arith.constant 0 : index
    %get3A_32 = vector.load %arg5[%get3A_30, %get3A_31] : memref<256x768xf32, #tpu.memory_space<vmem>>, vector<256x768xf32>
    %mul3A_33 = vector.broadcast %get3A_29 : vector<256x1xf32> to vector<256x768xf32>
    %mul3A_34 = arith.mulf %mul3A_33, %get3A_32 : vector<256x768xf32>
    %add3A_35 = arith.addf %dot_general3A_26, %mul3A_34 : vector<256x768xf32>
    %get3A_36 = arith.constant 0 : index
    %get3A_37 = arith.constant 0 : index
    %get3A_38 = vector.load %arg8[%get3A_36, %get3A_37] : memref<256x1xf32, #tpu.memory_space<vmem>>, vector<256x1xf32>
    %get3A_39 = arith.constant 0 : index
    %get3A_40 = arith.constant 0 : index
    %get3A_41 = vector.load %arg6[%get3A_39, %get3A_40] : memref<256x768xf32, #tpu.memory_space<vmem>>, vector<256x768xf32>
    %mul3A_42 = vector.broadcast %get3A_38 : vector<256x1xf32> to vector<256x768xf32>
    %mul3A_43 = arith.mulf %mul3A_42, %get3A_41 : vector<256x768xf32>
    %add3A_44 = arith.addf %add3A_35, %mul3A_43 : vector<256x768xf32>
    %swap3A = arith.constant 0 : index
    %swap3A_45 = arith.constant 0 : index
    %swap3A_46 = vector.load %arg9[%swap3A, %swap3A_45] : memref<256x768xf32, #tpu.memory_space<vmem>>, vector<256x768xf32>
    tpu.vector_store %arg9[%swap3A, %swap3A_45], %add3A_44 {strides = array<i32>} : memref<256x768xf32, #tpu.memory_space<vmem>>, vector<256x768xf32>,
    return
  }
  func.func @transform_0(%arg0: i32) -> (i32, i32) {
    %c0_i32 = arith.constant 0 : i32
    %c0_i32_0 = arith.constant 0 : i32
    return %arg0, %c0_i32 : i32, i32
  }
  func.func @transform_1(%arg0: i32) -> (i32, i32) {
    %c0_i32 = arith.constant 0 : i32
    %c0_i32_0 = arith.constant 0 : i32
    %c0_i32_1 = arith.constant 0 : i32
    return %c0_i32, %c0_i32_0 : i32, i32
  }
  func.func @transform_2(%arg0: i32) -> (i32, i32) {
    %c0_i32 = arith.constant 0 : i32
    %c0_i32_0 = arith.constant 0 : i32
    %c0_i32_1 = arith.constant 0 : i32
    return %c0_i32, %c0_i32_0 : i32, i32
  }
  func.func @transform_3(%arg0: i32) -> (i32, i32) {
    %c0_i32 = arith.constant 0 : i32
    %c0_i32_0 = arith.constant 0 : i32
    %c0_i32_1 = arith.constant 0 : i32
    return %c0_i32, %c0_i32_0 : i32, i32
  }
  func.func @transform_4(%arg0: i32) -> (i32, i32) {
    %c0_i32 = arith.constant 0 : i32
    %c0_i32_0 = arith.constant 0 : i32
    return %arg0, %c0_i32 : i32, i32
  }
  func.func @transform_5(%arg0: i32) -> (i32, i32) {
    %c0_i32 = arith.constant 0 : i32
    %c0_i32_0 = arith.constant 0 : i32
    return %arg0, %c0_i32 : i32, i32
  }
  func.func @transform_6(%arg0: i32) -> (i32, i32) {
    %c0_i32 = arith.constant 0 : i32
    %c0_i32_0 = arith.constant 0 : i32
    return %arg0, %c0_i32 : i32, i32
  }
  func.func @transform_7(%arg0: i32) -> (i32, i32) {
    %c0_i32 = arith.constant 0 : i32
    %c0_i32_0 = arith.constant 0 : i32
    return %arg0, %c0_i32 : i32, i32
  }
  func.func @transform_8(%arg0: i32) -> (i32, i32) {
    %c0_i32 = arith.constant 0 : i32
    %c0_i32_0 = arith.constant 0 : i32
    return %arg0, %c0_i32 : i32, i32
  }
}

</mosaic_0001>

<sc_bundles>
// kernel: kernel.10.cloned.1.call-start
scs
__scs_entry_jumppad:
0x0: {  	(pc) =	sbr.rel $0x88, $3  }
0x1: {  	(tag) =	ssettag $0x0;
	lr =	simm.s32 $0x1  }
0x2: {  	[smem:$0x3F98] =	sst lr;
	_ =	strace $0xD0000000  }
0x3: {  	_ = 	snop  }
0x4: {  	_ = 	snop  }
0x5: {  	_ = 	snop  }
0x6: {  	_ = 	snop  }
0x7: {  	_ = 	snop  }
__scs_overlays_trampoline_lowered:
0x8: {  	[smem:$0x3FA7] =	sst s0  }
0x9: {  	[smem:$0x3FA8] =	sst s1  }
0xa: {  	[smem:$0x3FA9] =	sst s2  }
0xb: {  	[smem:$0x3FAA] =	sst s3  }
0xc: {  	[smem:$0x3FAB] =	sst s4  }
0xd: {  	[smem:$0x3FAC] =	sst s5  }
0xe: {  	[smem:$0x3FAD] =	sst s6  }
0xf: {  	[smem:$0x3FAE] =	sst s7  }
0x10: {  	[smem:$0x3FAF] =	sst s8  }
0x11: {  	[smem:$0x3FB0] =	sst s9;
	s0 =	simm.s32 @!p0 $0x0  }
0x12: {  	s1 =	sld [smem:$0x3F96];
	s0 =	simm.s32 @p0 $0x1  }
0x13: {  	[smem:$0x3FB1] =	sst s0;
	s0 =	simm.s32 @!p1 $0x0  }
0x14: {  	s2 =	sld [smem:$0x3F95];
	s0 =	simm.s32 @p1 $0x1  }
0x15: {  	[smem:$0x3FB2] =	sst s0;
	s0 =	simm.s32 @!p2 $0x0  }
0x16: {  	s3 =	sld [smem:$0x3FDB];
	s0 =	simm.s32 @p2 $0x1  }
0x17: {  	s4 =	simm.s32 $0x1BF5;
	[smem:$0x3FB4] =	sst s0  }
0x18: {  	s0 =	sld [smem:$0x3F97];
	_ =	swait.ge [sflag:s4], $0x0  }
0x19: {  	s7 =	sld [smem:$0x3F98]  }
0x1a: {  	s8 =	sadd.s32 $0xFFFFE003, lr  }
0x1b: {  	s9 =	sadd.s32 $0xFFFFFEF7, lr;
	s5 =	simm.s32 $0xFFFFFFFF;
	p2 =	slt.u32 s8, $0xFFFFF086  }
0x1c: {  	p1 =	slt.u32 s9, $0xF7A;
	s5 =	simm.s32 @!p2 $0x0  }
0x1d: {  	s5 =	simm.s32 @p1 $0x1;
	p0 =	seq.s32 s7, s2  }
0x1e: {  	s7 =	smul.u32 @!p0 $0xF7A, s2;
	p2 =	seq.s32 @!p0 s5, $0x0  }
0x1f: {  	s9 =	smul.u32 $0xF7A, s1;
	s8 =	simm.s32 @!p0 $0x1BF5;
	p2 =	por !p2, p0  }
0x20: {  	[sflag:s8] =	ssyncset.s32 @!p0 $0xFFFFF086;
	s6 =	sadd.s32 @!p0 s3, s7;
	s7 =	simm.s32 @!p0 $0x108  }
0x21: {  	s3 =	sadd.s32 s3, s9;
	s6 =	sadd.s32 @!p0 $0x88, s6;
	s7 =	simm.s32 @p2 $0x1082  }
0x22: {  	[simem:s7], [sflag:s8] =	dma.local @!p0 [hbm:s6], $0xF7A  }
0x23: {  	s9 =	sor.u32 $0xD0000000, s2;
	s6 =	simm.s32 $0x108;
	_ =	swait.ge @!p0 [sflag:s8], $0x0  }
0x24: {  	s3 =	sadd.s32 $0x88, s3;
	s6 =	simm.s32 @!p1 $0x1082;
	[sflag:s4] =	ssyncset.s32 $0xFFFFF086  }
0x25: {  	[simem:s6], [sflag:s4] =	dma.local [hbm:s3], $0xF7A  }
0x26: {  	[smem:$0x3F98] =	sst s1;
	(tag) =	ssettag s2;
	_ =	strace s9  }
0x27: {  	s1 =	sld [smem:$0x3FA8]  }
0x28: {  	s2 =	sld [smem:$0x3FA9]  }
0x29: {  	s4 =	sld [smem:$0x3FAB]  }
0x2a: {  	p0 =	seq.s32 s5, $0x0;
	s5 =	sld [smem:$0x3FAC]  }
0x2b: {  	s6 =	sld [smem:$0x3FAD]  }
0x2c: {  	s7 =	sld [smem:$0x3FAE]  }
0x2d: {  	s3 =	simm.s32 $0x108;
	s8 =	sld [smem:$0x3FAF]  }
0x2e: {  	s3 =	simm.s32 @!p0 $0x1082;
	s9 =	sld [smem:$0x3FB0]  }
0x2f: {  	lr =	sadd.s32 s0, s3;
	s0 =	sld [smem:$0x3FA7]  }
0x30: {  	s3 =	sld [smem:$0x3FAA]  }
0x31: {  	[smem:$0x3FB3] =	sst s10  }
0x32: {  	s10 =	sld [smem:$0x3FB1];
	_ =	sdelay $0x3  }
0x33: {  	p0 =	seq.s32 s10, $0x1;
	s10 =	sld [smem:$0x3FB3];
	_ =	sdelay $0x3  }
0x34: {  	[smem:$0x3FB3] =	sst s10  }
0x35: {  	s10 =	sld [smem:$0x3FB2];
	_ =	sdelay $0x3  }
0x36: {  	p1 =	seq.s32 s10, $0x1;
	s10 =	sld [smem:$0x3FB3];
	_ =	sdelay $0x3  }
0x37: {  	[smem:$0x3FB3] =	sst s10  }
0x38: {  	s10 =	sld [smem:$0x3FB4]  }
0x39: {  	_ = 	snop;
	(pc) =	sbr.ind lr, $3  }
0x3a: {  	_ = 	snop  }
0x3b: {  	_ = 	snop  }
0x3c: {  	p2 =	seq.s32 s10, $0x1;
	s10 =	sld [smem:$0x3FB3]  }
0x3d: {  	_ =	shalt  }
0x3e: {  	_ =	shalt  }
0x3f: {  	_ =	shalt  }
0x40: {  	_ =	shalt  }
0x41: {  	_ =	shalt  }
0x42: {  	_ =	shalt  }
0x43: {  	_ =	shalt  }
0x44: {  	_ =	shalt  }
0x45: {  	_ =	shalt  }
0x46: {  	_ =	shalt  }
0x47: {  	_ =	shalt  }
0x48: {  	_ =	shalt  }
0x49: {  	_ =	shalt  }
0x4a: {  	_ =	shalt  }
0x4b: {  	_ =	shalt  }
0x4c: {  	_ =	shalt  }
0x4d: {  	_ =	shalt  }
0x4e: {  	_ =	shalt  }
0x4f: {  	_ =	shalt  }
0x50: {  	_ =	shalt  }
0x51: {  	_ =	shalt  }
0x52: {  	_ =	shalt  }
0x53: {  	_ =	shalt  }
0x54: {  	_ =	shalt  }
0x55: {  	_ =	shalt  }
0x56: {  	_ =	shalt  }
0x57: {  	_ =	shalt  }
0x58: {  	_ =	shalt  }
0x59: {  	_ =	shalt  }
0x5a: {  	_ =	shalt  }
0x5b: {  	_ =	shalt  }
0x5c: {  	_ =	shalt  }
0x5d: {  	_ =	shalt  }
0x5e: {  	_ =	shalt  }
0x5f: {  	_ =	shalt  }
0x60: {  	_ =	shalt  }
0x61: {  	_ =	shalt  }
0x62: {  	_ =	shalt  }
0x63: {  	_ =	shalt  }
0x64: {  	_ =	shalt  }
0x65: {  	_ =	shalt  }
0x66: {  	_ =	shalt  }
0x67: {  	_ =	shalt  }
0x68: {  	_ =	shalt  }
0x69: {  	_ =	shalt  }
0x6a: {  	_ =	shalt  }
0x6b: {  	_ =	shalt  }
0x6c: {  	_ =	shalt  }
0x6d: {  	_ =	shalt  }
0x6e: {  	_ =	shalt  }
0x6f: {  	_ =	shalt  }
0x70: {  	_ =	shalt  }
0x71: {  	_ =	shalt  }
0x72: {  	_ =	shalt  }
0x73: {  	_ =	shalt  }
0x74: {  	_ =	shalt  }
0x75: {  	_ =	shalt  }
0x76: {  	_ =	shalt  }
0x77: {  	_ =	shalt  }
0x78: {  	_ =	shalt  }
0x79: {  	_ =	shalt  }
0x7a: {  	_ =	shalt  }
0x7b: {  	_ =	shalt  }
0x7c: {  	_ =	shalt  }
0x7d: {  	_ =	shalt  }
0x7e: {  	_ =	shalt  }
0x7f: {  	_ =	shalt  }
0x80: {  	_ =	shalt  }
0x81: {  	_ =	shalt  }
0x82: {  	_ =	shalt  }
0x83: {  	_ =	shalt  }
0x84: {  	_ =	shalt  }
0x85: {  	_ =	shalt  }
0x86: {  	_ =	shalt  }
0x87: {  	_ =	shalt  }
.Lfunc_end0:
.L_simem_size_0:
called_computation.1_lowered:
.L_overlay_start_0:
0x88: {  	s2 =	sld [smem:$0x3FD9]  }
0x89: {  	s3 =	sld [smem:$0x3FFE];
	_ =	sdelay $0x1  }
0x8a: {  	s1 =	srdreg.scid  }
0x8b: {  	s0 =	sand.u32 $0x1, s1  }
0x8c: {  	s17 =	sshll.u32 s0, $0xA;
	s2 =	sadd.s32 s3, s2  }
0x8d: {  	s2 =	sadd.s32 s2, s17  }
0x8e: {  	[smem:$0x3FBF] =	sst s2  }
0x8f: {  	_ = 	snop  }
0x90: {  	s2 =	sld [smem:$0x3FD0];
	(tm) =	ssettm $0x1  }
0x91: {  	s18 =	sld [smem:$0x3FFB];
	_ =	sdelay $0x3  }
0x92: {  	_ =	strace s18  }
0x93: {  	s3 =	sld [smem:$0x3FFC];
	_ =	sdelay $0x3  }
0x94: {  	_ =	strace s3  }
0x95: {  	s3 =	sld [smem:$0x3FFD];
	_ =	sdelay $0x3  }
0x96: {  	_ =	strace s3  }
0x97: {  	_ =	strace $0x8FFFFFFF  }
0x98: {  	s19 =	sld [smem:$0x3FDB];
	_ =	sdelay $0x1  }
0x99: {  	s4 =	simm.s32 $_scs_section_size  }
0x9a: {  	s5 =	simm.s32 $_size__tile_overlayer_lowered;
	s6 =	simm.s32 $_tile_overlayer_lowered  }
0x9b: {  	s22 =	simm.s32 $0x1BFF;
	s21 =	sshll.u32 s6, $0x1;
	s3 =	sadd.s32 s4, s19  }
0x9c: {  	s7 =	simm.s32 $0x0;
	s20 =	sshll.u32 s5, $0x1;
	s5 =	sadd.s32 s21, s3  }
0x9d: {  	[timem:s7], [sflag:s22] =	dma.local [hbm:s5], s20  }
0x9e: {  	_ =	swait.ge [sflag:s22], s20  }
0x9f: {  	s4 =	ssub.s32 $0x0, s20;
	[sflag:s22] =	ssyncset.done $0x0  }
0xa0: {  	[sflag:s22] =	ssyncadd.s32 s4;
	_ =	sdelay $0x1  }
0xa1: {  	s23 =	simm.s32 $0x1B8B  }
0xa2: {  	_ =	swait.ge [sflag:s23], $0x1  }
0xa3: {  	[sflag:s23] =	ssyncset.done $0x0  }
0xa4: {  	s25 =	simm.s32 $0x1B8E;
	s24 =	sld [smem:$0x3FFE];
	[sflag:s23] =	ssyncadd.s32 $0xFFFFFFFF  }
0xa5: {  	s26 =	simm.s32 $execute0_lowered;
	[smem:$0x3FD2] =	sst s25  }
0xa6: {  	s5 =	sshll.u32 s26, $0x1;
	_ =	strace $0x80000049;
	[dreg:$0x1] =	wrdreg $0xFFFFFFFF  }
0xa7: {  	s28 =	simm.s32 $_size_execute0_lowered;
	s3 =	sadd.s32 s3, s5;
	[dreg:$0x0] =	wrdreg $0x0  }
0xa8: {  	s5 =	sshll.u32 s28, $0x1;
	[dreg:$0x2] =	wrdreg s3  }
0xa9: {  	[dreg:$0x3] =	wrdreg s5  }
0xaa: {  	[dreg:$0x4] =	wrdreg $0xC0  }
0xab: {  	_ =	task [dreg:s7], $0x5FFFF  }
0xac: {  	[dreg:$0x1] =	wrdreg $0xFFFFFFFF  }
0xad: {  	[dreg:$0x0] =	wrdreg $0x60  }
0xae: {  	[dreg:$0x2] =	wrdreg s24  }
0xaf: {  	[dreg:$0x3] =	wrdreg s2  }
0xb0: {  	[dreg:$0x4] =	wrdreg $0x9  }
0xb1: {  	_ =	task.clear_ibuf [dreg:s7], $0x5FFFF;
	_ =	strace $0x90000049  }
0xb2: {  	s29 =	simm.s32 $0x9;
	_ =	strace $0x8000004B  }
0xb3: {  	_ =	swait.ge [sflag:s29], $0x1  }
0xb4: {  	[sflag:s29] =	ssyncadd.s32 $0xFFFFFFFF  }
0xb5: {  	_ =	strace $0x9000004B  }
0xb6: {  	_ =	sfence  }
0xb7: {  	s30 =	sld [smem:$0x0];
	_ =	sdelay $0x2  }
0xb8: {  	s31 =	sshll.u32 s1, $0xD;
	s1 =	sshrl.u32 s1, $0x2  }
0xb9: {  	s3 =	sand.u32 $0x4000, s31;
	s1 =	sadd.s32 s1, s30  }
0xba: {  	s0 =	sor.u32 s3, s0;
	s1 =	sshll.u32 s1, $0x11  }
0xbb: {  	s0 =	sor.u32 s1, s0  }
0xbc: {  	s0 =	sadd.s32 $0x8F2B, s0  }
0xbd: {  	[sflag:s0] =	ssyncadd.remote.s32 $0x1  }
0xbe: {  	_ =	sfence.sel $0xFFFF  }
0xbf: {  	[dreg:$0x0] =	wrdreg $0xFFFFFFFF;
	(pc) =	sbr.abs _section_cstart, $3  }
0xc0: {  	[dreg:$0x1] =	wrdreg $0xFFFFFFFF  }
0xc1: {  	_ =	task.clear_ibuf [dreg:s7], $0x2FFFF;
	_ =	strace $0x9FFFFFFF  }
0xc2: {  	(tm) =	ssettm $0x7FFFFFFF  }
0xc3: {  	_ =	shalt  }
tec
execute0_lowered:
.L_overlay_start_1:
0x0: {  	(tag) =	ssettag $0x1  }
0x1: {  	s2 =	srdreg.scid;
	s1 =	rddreg [dreg:$0x0]  }
0x2: {  	s3 =	rddreg [dreg:$0x1];
	s4 =	sand.u32 $0x1, s2;
	s2 =	simm.s32 $0x0  }
0x3: {  	s22 =	simm.s32 $0x80;
	[smem:$0x7FF] =	sst s2  }
0x4: {  	s23 =	simm.s32 $0x900;
	_ =	strace $0x8000004A;
	[dreg:$0x7] =	wrdreg s22  }
0x5: {  	s24 =	simm.s32 $0x1100;
	[dreg:$0x8] =	wrdreg s23  }
0x6: {  	s25 =	simm.s32 $0x1900;
	[dreg:$0x9] =	wrdreg s24  }
0x7: {  	s0 =	stileid.u32;
	s26 =	simm.s32 $0x2100;
	[dreg:$0xa] =	wrdreg s25  }
0x8: {  	s5 =	sshll.u32 s0, $0x4;
	s0 =	simm.s32 $0x2900;
	[dreg:$0xb] =	wrdreg s26  }
0x9: {  	s8 =	simm.s32 $0x4900;
	[dreg:$0xc] =	wrdreg s0  }
0xa: {  	s9 =	simm.s32 $0x5100;
	[dreg:$0x10] =	wrdreg s8  }
0xb: {  	s10 =	simm.s32 $0x5900;
	[dreg:$0x11] =	wrdreg s9  }
0xc: {  	s11 =	simm.s32 $0x6100;
	s12 =	simm.s32 $0x6900;
	[dreg:$0x12] =	wrdreg s10  }
0xd: {  	s13 =	simm.s32 $0x7100;
	s14 =	simm.s32 $0x7900;
	[dreg:$0x13] =	wrdreg s11  }
0xe: {  	s15 =	simm.s32 $0x8100;
	s16 =	simm.s32 $0x8900;
	[dreg:$0x14] =	wrdreg s12  }
0xf: {  	s17 =	simm.s32 $0x9100;
	s18 =	simm.s32 $0x9900;
	[dreg:$0x15] =	wrdreg s13  }
0x10: {  	s28 =	simm.s32 $0x16900;
	s29 =	simm.s32 $0x17100;
	[dreg:$0x16] =	wrdreg s14  }
0x11: {  	s30 =	simm.s32 $0x17900;
	s31 =	simm.s32 $0x1;
	[dreg:$0x17] =	wrdreg s15  }
0x12: {  	s6 =	sshll.u32 s4, $0x3;
	s4 =	ssub.s32 $0x2, s4;
	[dreg:$0x18] =	wrdreg s16  }
0x13: {  	s5 =	sor.u32 s6, s5;
	[dreg:$0x19] =	wrdreg s17;
	s19 =	sshrl.u32 s4, $0x1  }
0x14: {  	[dreg:$0x1a] =	wrdreg s18;
	s22 =	simm.s32 $0xB100;
	s23 =	simm.s32 $0xB900  }
0x15: {  	s24 =	simm.s32 $0xC900;
	s25 =	simm.s32 $0xD100;
	s8 =	simm.s32 $0x100  }
0x16: {  	s26 =	simm.s32 $0xD900;
	s9 =	simm.s32 $0xC100;
	s11 =	simm.s32 $0xE900  }
0x17: {  	s12 =	simm.s32 $0xF100;
	s13 =	simm.s32 $0xF900;
	[dreg:$0x1d] =	wrdreg s22  }
0x18: {  	s14 =	simm.s32 $0x10100;
	s15 =	simm.s32 $0x10900;
	[dreg:$0x1e] =	wrdreg s23  }
0x19: {  	s16 =	simm.s32 $0x11100;
	s17 =	simm.s32 $0x11900;
	[dreg:$0x1f] =	wrdreg s24  }
0x1a: {  	s18 =	simm.s32 $0x12100;
	s6 =	sadd.s32 s5, s1;
	[smem:$0x7FC] =	sst s25  }
0x1b: {  	s5 =	smul.u32 $0x300, s5;
	[smem:$0x7FD] =	sst s26;
	s7 =	sadd.s32 $0x1200, s6  }
0x1c: {  	s22 =	simm.s32 $0x14100;
	s6 =	sadd.s32 $0x1400, s6;
	[dreg:$0x3] =	wrdreg s7  }
0x1d: {  	s23 =	simm.s32 $0x14900;
	[dreg:$0x4] =	wrdreg s6;
	s3 =	sadd.s32 s3, s5  }
0x1e: {  	s20 =	sadd.s32 s5, s1;
	s5 =	simm.s32 $0x3100;
	[dreg:$0x5] =	wrdreg s3  }
0x1f: {  	s24 =	simm.s32 $0x15100;
	s6 =	simm.s32 $0x3900;
	[dreg:$0xd] =	wrdreg s5  }
0x20: {  	s25 =	simm.s32 $0x15900;
	s7 =	simm.s32 $0x4100;
	[dreg:$0xe] =	wrdreg s6  }
0x21: {  	s26 =	simm.s32 $0x16100;
	s21 =	sadd.s32 $0x1600, s20;
	[dreg:$0xf] =	wrdreg s7  }
0x22: {  	s3 =	sadd.s32 $0xC1600, s1;
	s20 =	simm.s32 $0xA100;
	s6 =	ssub.s32 s4, s19  }
0x23: {  	s4 =	sadd.s32 $0xC1700, s1;
	s5 =	sadd.s32 $0xC1800, s1;
	s7 =	simm.s32 $0x3  }
0x24: {  	v2 =	vlaneseq.u32;
	s19 =	simm.s32 $0x12900;
	s1 =	simm.s32 $0x2;
	[dreg:$0x6] =	wrdreg s21  }
0x25: {  	vm0 =	vmmov $0xffff;
	v1 =	vshrl.u32 v2, $0x3;
	[dreg:$0x1b] =	wrdreg s20;
	s21 =	simm.s32 $0xA900;
	s6 =	smax.u32 s6, $0x1  }
0x26: {  	v0 =	vand.u32 $0x7, v2;
	v2 =	vor.u32 $0x8, v2;
	v1 =	vmul.u32 $0x8, v1;
	s20 =	simm.s32 $0x13100;
	[dreg:$0x1c] =	wrdreg s21;
	s21 =	simm.s32 $0x13900  }
.LBB2_1:
0x27: {  	s0 =	rddreg [dreg:$0x3]  }
0x28: {  	[tilespmem:s2], [sflag:$0x3] =	stream.linear.gather [hbm4b:s0+s2], $0x40, $0x38;
	[tilespmem:$0x18100] =	vst v63  }
0x29: {  	_ =	swait.ge [sflag:s7], $0x40  }
0x2a: {  	s0 =	rddreg [dreg:$0x4];
	[sflag:s7] =	ssyncset.done $0x0  }
0x2b: {  	s10 =	rddreg [dreg:$0x7];
	[sflag:s7] =	ssyncadd.s32 $0xFFFFFFC0  }
0x2c: {  	[tilespmem:s10], [sflag:$0x3] =	stream.linear.gather [hbm4b:s0+s2], $0x40, $0x38;
	[tilespmem:$0x18100] =	vst v63  }
0x2d: {  	_ =	swait.ge [sflag:s7], $0x40  }
0x2e: {  	[sflag:s7] =	ssyncset.done $0x0  }
0x2f: {  	[sflag:s7] =	ssyncadd.s32 $0xFFFFFFC0  }
0x30: {  	v3 =	vld [tilespmem:$0x0];
	_ =	sdelay $0x4  }
0x31: {  	v4 =	vshrl.u32 v3, $0x3  }
0x32: {  	v4 =	vmul.u32 $0x30, v4  }
0x33: {  	v3 =	vand.u32 $0x7, v3  }
0x34: {  	v3 =	vor.u32 v3, v4  }
0x35: {  	v4 =	vperm.xlane v3, v0;
	_ =	sdelay $0x1  }
0x36: {  	v4 =	vadd.s32 v1, v4;
	_ =	sdelay $0x3  }
0x37: {  	v3 =	vperm.xlane v3, v2  }
0x38: {  	[tilespmem:s8], [sflag:$0x1] =	stream.indirect_vreg.gather [hbm4b:s3+s2], $0x80, v4, vm0, $0xb8;
	[tilespmem:$0x18100] =	vst v63  }
0x39: {  	s0 =	rddreg [dreg:$0x8];
	v3 =	vadd.s32 v1, v3  }
0x3a: {  	[tilespmem:s0], [sflag:$0x1] =	stream.indirect_vreg.gather [hbm4b:s4+s2], $0x80, v4, vm0, $0xb8;
	[tilespmem:$0x18100] =	vst v63  }
0x3b: {  	s10 =	rddreg [dreg:$0x9]  }
0x3c: {  	[tilespmem:s10], [sflag:$0x1] =	stream.indirect_vreg.gather [hbm4b:s5+s2], $0x80, v4, vm0, $0xb8;
	[tilespmem:$0x18100] =	vst v63  }
0x3d: {  	s0 =	rddreg [dreg:$0xa]  }
0x3e: {  	[tilespmem:s0], [sflag:$0x1] =	stream.indirect_vreg.gather [hbm4b:s3+s2], $0x80, v3, vm0, $0xb8;
	[tilespmem:$0x18100] =	vst v63  }
0x3f: {  	s10 =	rddreg [dreg:$0xb]  }
0x40: {  	[tilespmem:s10], [sflag:$0x1] =	stream.indirect_vreg.gather [hbm4b:s4+s2], $0x80, v3, vm0, $0xb8;
	[tilespmem:$0x18100] =	vst v63  }
0x41: {  	s0 =	rddreg [dreg:$0xc]  }
0x42: {  	[tilespmem:s0], [sflag:$0x1] =	stream.indirect_vreg.gather [hbm4b:s5+s2], $0x80, v3, vm0, $0xb8;
	[tilespmem:$0x18100] =	vst v63  }
0x43: {  	v3 =	vld [tilespmem:$0x10];
	_ =	sdelay $0x4  }
0x44: {  	v57 =	vshrl.u32 v3, $0x3  }
0x45: {  	v4 =	vmul.u32 $0x30, v57  }
0x46: {  	v3 =	vand.u32 $0x7, v3  }
0x47: {  	v3 =	vor.u32 v3, v4  }
0x48: {  	v4 =	vperm.xlane v3, v0;
	_ =	sdelay $0x1  }
0x49: {  	v4 =	vadd.s32 v1, v4;
	_ =	sdelay $0x3  }
0x4a: {  	s0 =	rddreg [dreg:$0xd];
	v3 =	vperm.xlane v3, v2  }
0x4b: {  	[tilespmem:s0], [sflag:$0x1] =	stream.indirect_vreg.gather [hbm4b:s3+s2], $0x80, v4, vm0, $0xb8;
	[tilespmem:$0x18100] =	vst v63  }
0x4c: {  	s10 =	rddreg [dreg:$0xe];
	v3 =	vadd.s32 v1, v3  }
0x4d: {  	[tilespmem:s10], [sflag:$0x1] =	stream.indirect_vreg.gather [hbm4b:s4+s2], $0x80, v4, vm0, $0xb8;
	[tilespmem:$0x18100] =	vst v63  }
0x4e: {  	s0 =	rddreg [dreg:$0xf]  }
0x4f: {  	[tilespmem:s0], [sflag:$0x1] =	stream.indirect_vreg.gather [hbm4b:s5+s2], $0x80, v4, vm0, $0xb8;
	[tilespmem:$0x18100] =	vst v63  }
0x50: {  	s10 =	rddreg [dreg:$0x10]  }
0x51: {  	[tilespmem:s10], [sflag:$0x1] =	stream.indirect_vreg.gather [hbm4b:s3+s2], $0x80, v3, vm0, $0xb8;
	[tilespmem:$0x18100] =	vst v63  }
0x52: {  	s0 =	rddreg [dreg:$0x11]  }
0x53: {  	[tilespmem:s0], [sflag:$0x1] =	stream.indirect_vreg.gather [hbm4b:s4+s2], $0x80, v3, vm0, $0xb8;
	[tilespmem:$0x18100] =	vst v63  }
0x54: {  	s10 =	rddreg [dreg:$0x12]  }
0x55: {  	[tilespmem:s10], [sflag:$0x1] =	stream.indirect_vreg.gather [hbm4b:s5+s2], $0x80, v3, vm0, $0xb8;
	[tilespmem:$0x18100] =	vst v63  }
0x56: {  	v3 =	vld [tilespmem:$0x20];
	_ =	sdelay $0x4  }
0x57: {  	v58 =	vshrl.u32 v3, $0x3  }
0x58: {  	v4 =	vmul.u32 $0x30, v58  }
0x59: {  	v3 =	vand.u32 $0x7, v3  }
0x5a: {  	v3 =	vor.u32 v3, v4  }
0x5b: {  	v4 =	vperm.xlane v3, v0;
	_ =	sdelay $0x1  }
0x5c: {  	v4 =	vadd.s32 v1, v4;
	_ =	sdelay $0x3  }
0x5d: {  	s0 =	rddreg [dreg:$0x13];
	v3 =	vperm.xlane v3, v2  }
0x5e: {  	[tilespmem:s0], [sflag:$0x1] =	stream.indirect_vreg.gather [hbm4b:s3+s2], $0x80, v4, vm0, $0xb8;
	[tilespmem:$0x18100] =	vst v63  }
0x5f: {  	s10 =	rddreg [dreg:$0x14];
	v3 =	vadd.s32 v1, v3  }
0x60: {  	[tilespmem:s10], [sflag:$0x1] =	stream.indirect_vreg.gather [hbm4b:s4+s2], $0x80, v4, vm0, $0xb8;
	[tilespmem:$0x18100] =	vst v63  }
0x61: {  	s0 =	rddreg [dreg:$0x15]  }
0x62: {  	[tilespmem:s0], [sflag:$0x1] =	stream.indirect_vreg.gather [hbm4b:s5+s2], $0x80, v4, vm0, $0xb8;
	[tilespmem:$0x18100] =	vst v63  }
0x63: {  	s10 =	rddreg [dreg:$0x16]  }
0x64: {  	[tilespmem:s10], [sflag:$0x1] =	stream.indirect_vreg.gather [hbm4b:s3+s2], $0x80, v3, vm0, $0xb8;
	[tilespmem:$0x18100] =	vst v63  }
0x65: {  	s0 =	rddreg [dreg:$0x17]  }
0x66: {  	[tilespmem:s0], [sflag:$0x1] =	stream.indirect_vreg.gather [hbm4b:s4+s2], $0x80, v3, vm0, $0xb8;
	[tilespmem:$0x18100] =	vst v63  }
0x67: {  	s10 =	rddreg [dreg:$0x18]  }
0x68: {  	[tilespmem:s10], [sflag:$0x1] =	stream.indirect_vreg.gather [hbm4b:s5+s2], $0x80, v3, vm0, $0xb8;
	[tilespmem:$0x18100] =	vst v63  }
0x69: {  	v3 =	vld [tilespmem:$0x30];
	_ =	sdelay $0x4  }
0x6a: {  	v59 =	vshrl.u32 v3, $0x3  }
0x6b: {  	v4 =	vmul.u32 $0x30, v59  }
0x6c: {  	v3 =	vand.u32 $0x7, v3  }
0x6d: {  	v3 =	vor.u32 v3, v4  }
0x6e: {  	v4 =	vperm.xlane v3, v0;
	_ =	sdelay $0x1  }
0x6f: {  	v4 =	vadd.s32 v1, v4;
	_ =	sdelay $0x3  }
0x70: {  	s0 =	rddreg [dreg:$0x19];
	v3 =	vperm.xlane v3, v2  }
0x71: {  	[tilespmem:s0], [sflag:$0x1] =	stream.indirect_vreg.gather [hbm4b:s3+s2], $0x80, v4, vm0, $0xb8;
	[tilespmem:$0x18100] =	vst v63  }
0x72: {  	s10 =	rddreg [dreg:$0x1a];
	v3 =	vadd.s32 v1, v3  }
0x73: {  	[tilespmem:s10], [sflag:$0x1] =	stream.indirect_vreg.gather [hbm4b:s4+s2], $0x80, v4, vm0, $0xb8;
	[tilespmem:$0x18100] =	vst v63  }
0x74: {  	s0 =	rddreg [dreg:$0x1b]  }
0x75: {  	[tilespmem:s0], [sflag:$0x1] =	stream.indirect_vreg.gather [hbm4b:s5+s2], $0x80, v4, vm0, $0xb8;
	[tilespmem:$0x18100] =	vst v63  }
0x76: {  	s10 =	rddreg [dreg:$0x1c]  }
0x77: {  	[tilespmem:s10], [sflag:$0x1] =	stream.indirect_vreg.gather [hbm4b:s3+s2], $0x80, v3, vm0, $0xb8;
	[tilespmem:$0x18100] =	vst v63  }
0x78: {  	s0 =	rddreg [dreg:$0x1d]  }
0x79: {  	[tilespmem:s0], [sflag:$0x1] =	stream.indirect_vreg.gather [hbm4b:s4+s2], $0x80, v3, vm0, $0xb8;
	[tilespmem:$0x18100] =	vst v63  }
0x7a: {  	s10 =	rddreg [dreg:$0x1e]  }
0x7b: {  	[tilespmem:s10], [sflag:$0x1] =	stream.indirect_vreg.gather [hbm4b:s5+s2], $0x80, v3, vm0, $0xb8;
	[tilespmem:$0x18100] =	vst v63  }
0x7c: {  	v3 =	vld [tilespmem:$0x80];
	_ =	sdelay $0x4  }
0x7d: {  	v60 =	vshrl.u32 v3, $0x3  }
0x7e: {  	v4 =	vmul.u32 $0x30, v60  }
0x7f: {  	v3 =	vand.u32 $0x7, v3  }
0x80: {  	v3 =	vor.u32 v3, v4  }
0x81: {  	v4 =	vperm.xlane v3, v0;
	_ =	sdelay $0x1  }
0x82: {  	v4 =	vadd.s32 v1, v4;
	_ =	sdelay $0x3  }
0x83: {  	s0 =	rddreg [dreg:$0x1f];
	v3 =	vperm.xlane v3, v2  }
0x84: {  	[tilespmem:s9], [sflag:$0x2] =	stream.indirect_vreg.gather [hbm4b:s3+s2], $0x80, v4, vm0, $0xb8;
	[tilespmem:$0x18100] =	vst v63  }
0x85: {  	s10 =	sld [smem:$0x7FC];
	v3 =	vadd.s32 v1, v3  }
0x86: {  	[tilespmem:s0], [sflag:$0x2] =	stream.indirect_vreg.gather [hbm4b:s4+s2], $0x80, v4, vm0, $0xb8;
	[tilespmem:$0x18100] =	vst v63  }
0x87: {  	s0 =	sld [smem:$0x7FD]  }
0x88: {  	[tilespmem:s10], [sflag:$0x2] =	stream.indirect_vreg.gather [hbm4b:s5+s2], $0x80, v4, vm0, $0xb8;
	[tilespmem:$0x18100] =	vst v63  }
0x89: {  	_ = 	snop  }
0x8a: {  	[tilespmem:s0], [sflag:$0x2] =	stream.indirect_vreg.gather [hbm4b:s3+s2], $0x80, v3, vm0, $0xb8;
	[tilespmem:$0x18100] =	vst v63  }
0x8b: {  	s10 =	simm.s32 $0xE100  }
0x8c: {  	[tilespmem:s10], [sflag:$0x2] =	stream.indirect_vreg.gather [hbm4b:s4+s2], $0x80, v3, vm0, $0xb8;
	[tilespmem:$0x18100] =	vst v63  }
0x8d: {  	_ = 	snop  }
0x8e: {  	[tilespmem:s11], [sflag:$0x2] =	stream.indirect_vreg.gather [hbm4b:s5+s2], $0x80, v3, vm0, $0xb8;
	[tilespmem:$0x18100] =	vst v63  }
0x8f: {  	v3 =	vld [tilespmem:$0x90];
	_ =	sdelay $0x4  }
0x90: {  	v61 =	vshrl.u32 v3, $0x3  }
0x91: {  	v4 =	vmul.u32 $0x30, v61  }
0x92: {  	v3 =	vand.u32 $0x7, v3  }
0x93: {  	v3 =	vor.u32 v3, v4  }
0x94: {  	v4 =	vperm.xlane v3, v0;
	_ =	sdelay $0x1  }
0x95: {  	v4 =	vadd.s32 v1, v4;
	_ =	sdelay $0x3  }
0x96: {  	v3 =	vperm.xlane v3, v2  }
0x97: {  	[tilespmem:s12], [sflag:$0x2] =	stream.indirect_vreg.gather [hbm4b:s3+s2], $0x80, v4, vm0, $0xb8;
	[tilespmem:$0x18100] =	vst v63  }
0x98: {  	v3 =	vadd.s32 v1, v3  }
0x99: {  	[tilespmem:s13], [sflag:$0x2] =	stream.indirect_vreg.gather [hbm4b:s4+s2], $0x80, v4, vm0, $0xb8;
	[tilespmem:$0x18100] =	vst v63  }
0x9a: {  	_ = 	snop  }
0x9b: {  	[tilespmem:s14], [sflag:$0x2] =	stream.indirect_vreg.gather [hbm4b:s5+s2], $0x80, v4, vm0, $0xb8;
	[tilespmem:$0x18100] =	vst v63  }
0x9c: {  	_ = 	snop  }
0x9d: {  	[tilespmem:s15], [sflag:$0x2] =	stream.indirect_vreg.gather [hbm4b:s3+s2], $0x80, v3, vm0, $0xb8;
	[tilespmem:$0x18100] =	vst v63  }
0x9e: {  	_ = 	snop  }
0x9f: {  	[tilespmem:s16], [sflag:$0x2] =	stream.indirect_vreg.gather [hbm4b:s4+s2], $0x80, v3, vm0, $0xb8;
	[tilespmem:$0x18100] =	vst v63  }
0xa0: {  	_ = 	snop  }
0xa1: {  	[tilespmem:s17], [sflag:$0x2] =	stream.indirect_vreg.gather [hbm4b:s5+s2], $0x80, v3, vm0, $0xb8;
	[tilespmem:$0x18100] =	vst v63  }
0xa2: {  	v3 =	vld [tilespmem:$0xA0];
	_ =	sdelay $0x4  }
0xa3: {  	v62 =	vshrl.u32 v3, $0x3  }
0xa4: {  	v4 =	vmul.u32 $0x30, v62  }
0xa5: {  	v3 =	vand.u32 $0x7, v3  }
0xa6: {  	v3 =	vor.u32 v3, v4  }
0xa7: {  	v4 =	vperm.xlane v3, v0;
	_ =	sdelay $0x1  }
0xa8: {  	v4 =	vadd.s32 v1, v4;
	_ =	sdelay $0x3  }
0xa9: {  	v3 =	vperm.xlane v3, v2  }
0xaa: {  	[tilespmem:s18], [sflag:$0x2] =	stream.indirect_vreg.gather [hbm4b:s3+s2], $0x80, v4, vm0, $0xb8;
	[tilespmem:$0x18100] =	vst v63  }
0xab: {  	v3 =	vadd.s32 v1, v3  }
0xac: {  	[tilespmem:s19], [sflag:$0x2] =	stream.indirect_vreg.gather [hbm4b:s4+s2], $0x80, v4, vm0, $0xb8;
	[tilespmem:$0x18100] =	vst v63  }
0xad: {  	_ = 	snop  }
0xae: {  	[tilespmem:s20], [sflag:$0x2] =	stream.indirect_vreg.gather [hbm4b:s5+s2], $0x80, v4, vm0, $0xb8;
	[tilespmem:$0x18100] =	vst v63  }
0xaf: {  	_ = 	snop  }
0xb0: {  	[tilespmem:s21], [sflag:$0x2] =	stream.indirect_vreg.gather [hbm4b:s3+s2], $0x80, v3, vm0, $0xb8;
	[tilespmem:$0x18100] =	vst v63  }
0xb1: {  	_ = 	snop  }
0xb2: {  	[tilespmem:s22], [sflag:$0x2] =	stream.indirect_vreg.gather [hbm4b:s4+s2], $0x80, v3, vm0, $0xb8;
	[tilespmem:$0x18100] =	vst v63  }
0xb3: {  	_ = 	snop  }
0xb4: {  	[tilespmem:s23], [sflag:$0x2] =	stream.indirect_vreg.gather [hbm4b:s5+s2], $0x80, v3, vm0, $0xb8;
	[tilespmem:$0x18100] =	vst v63  }
0xb5: {  	v3 =	vld [tilespmem:$0xB0];
	_ =	sdelay $0x4  }
0xb6: {  	v63 =	vshrl.u32 v3, $0x3  }
0xb7: {  	v4 =	vmul.u32 $0x30, v63  }
0xb8: {  	v3 =	vand.u32 $0x7, v3  }
0xb9: {  	v3 =	vor.u32 v3, v4  }
0xba: {  	v4 =	vperm.xlane v3, v0;
	_ =	sdelay $0x1  }
0xbb: {  	v4 =	vadd.s32 v1, v4;
	_ =	sdelay $0x3  }
0xbc: {  	v3 =	vperm.xlane v3, v2  }
0xbd: {  	[tilespmem:s24], [sflag:$0x2] =	stream.indirect_vreg.gather [hbm4b:s3+s2], $0x80, v4, vm0, $0xb8;
	[tilespmem:$0x18100] =	vst v63  }
0xbe: {  	v3 =	vadd.s32 v1, v3  }
0xbf: {  	[tilespmem:s25], [sflag:$0x2] =	stream.indirect_vreg.gather [hbm4b:s4+s2], $0x80, v4, vm0, $0xb8;
	[tilespmem:$0x18100] =	vst v63  }
0xc0: {  	_ = 	snop  }
0xc1: {  	[tilespmem:s26], [sflag:$0x2] =	stream.indirect_vreg.gather [hbm4b:s5+s2], $0x80, v4, vm0, $0xb8;
	[tilespmem:$0x18100] =	vst v63  }
0xc2: {  	_ = 	snop  }
0xc3: {  	[tilespmem:s28], [sflag:$0x2] =	stream.indirect_vreg.gather [hbm4b:s3+s2], $0x80, v3, vm0, $0xb8;
	[tilespmem:$0x18100] =	vst v63  }
0xc4: {  	_ = 	snop  }
0xc5: {  	[tilespmem:s29], [sflag:$0x2] =	stream.indirect_vreg.gather [hbm4b:s4+s2], $0x80, v3, vm0, $0xb8;
	[tilespmem:$0x18100] =	vst v63  }
0xc6: {  	_ = 	snop  }
0xc7: {  	[tilespmem:s30], [sflag:$0x2] =	stream.indirect_vreg.gather [hbm4b:s5+s2], $0x80, v3, vm0, $0xb8;
	[tilespmem:$0x18100] =	vst v63  }
0xc8: {  	_ =	swait.ge [sflag:s31], $0xC000  }
0xc9: {  	[sflag:s31] =	ssyncset.done $0x0  }
0xca: {  	s10 =	rddreg [dreg:$0x5];
	[sflag:s31] =	ssyncadd.s32 $0xFFFF4000  }
0xcb: {  	[hbm4b:s10+s2] =	stream.linear.scatter [tilespmem:s8], [sflag:$0x3], $0xC000, $0x38;
	[tilespmem:$0x18100] =	vst v63  }
0xcc: {  	_ =	swait.ge [sflag:s7], $0xC000  }
0xcd: {  	[sflag:s7] =	ssyncset.done $0x0  }
0xce: {  	[sflag:s7] =	ssyncadd.s32 $0xFFFF4000  }
0xcf: {  	_ =	swait.ge [sflag:s1], $0xC000  }
0xd0: {  	p0 =	sne.s32 s6, $0x1;
	[sflag:s1] =	ssyncset.done $0x0  }
.Ltmp0:
0xd1: {  	s10 =	rddreg [dreg:$0x6];
	[sflag:s1] =	ssyncadd.s32 $0xFFFF4000;
	(pc) =	sbr.rel @p0 .LBB2_1-.Ltmp0, $4  }
0xd2: {  	[hbm4b:s10+s2] =	stream.linear.scatter [tilespmem:s9], [sflag:$0x3], $0xC000, $0x38;
	[tilespmem:$0x18100] =	vst v63  }
0xd3: {  	_ =	swait.ge [sflag:s7], $0xC000  }
0xd4: {  	[sflag:s7] =	ssyncset.done $0x0  }
0xd5: {  	s6 =	sadd.s32 $0xFFFFFFFF, s6;
	[sflag:s7] =	ssyncadd.s32 $0xFFFF4000  }
0xd6: {  	_ =	sfence.sel $0x180000  }
0xd7: {  	[bflag:$0x0] =	sbarrier.arrive $0xFFFF  }
0xd8: {  	_ =	strace $0x9000004A  }
0xd9: {  	s0 =	stileid.u32;
	[bflag:$0x2] =	sbarrier.arrive $0xFFFF  }
0xda: {  	p0 =	sne.s32 s0, $0x0;
	s0 =	rddreg [dreg:$0x2]  }
0xdb: {  	s0 =	sadd.s32 @!p0 $0x100000, s0  }
0xdc: {  	[sflag:s0] =	ssyncadd.tile.s32 @!p0 $0x1;
	_ =	shalt  }
.Lfunc_end2:
_tile_overlayer_lowered:
.L_overlay_start_2:
0xdd: {  	(tag) =	ssettag $0x2  }
0xde: {  	s0 =	rddreg [dreg:$0x0];
	s2 =	stileid.u32  }
0xdf: {  	s1 =	rddreg [dreg:$0x1];
	p0 =	sne.s32 s2, $0x0  }
0xe0: {  	s3 =	rddreg [dreg:$0x2];
	[bflag:$0x3] =	sbarrier.arrive $0xFFFF;
	s2 =	simm.s32 @!p0 $0x1C03  }
0xe1: {  	[timem:s3], [sflag:s2] =	dma.local @!p0 [hbm:s0], s1  }
0xe2: {  	s0 =	simm.s32 @!p0 $0x3  }
0xe3: {  	_ =	swait.ge @!p0 [sflag:s0], s1  }
0xe4: {  	s1 =	ssub.s32 @!p0 $0x0, s1;
	[sflag:s0] =	ssyncset.done @!p0 $0x0  }
0xe5: {  	[sflag:s0] =	ssyncadd.s32 @!p0 s1  }
0xe6: {  	[bflag:$0x3] =	sbarrier.arrive $0xFFFF  }
0xe7: {  	_ =	shalt  }

// kernel: kernel.7.cloned.1.call-start
scs
__scs_entry_jumppad:
0x0: {  	(pc) =	sbr.rel $0x88, $3  }
0x1: {  	(tag) =	ssettag $0x0;
	lr =	simm.s32 $0x1  }
0x2: {  	[smem:$0x3F98] =	sst lr;
	_ =	strace $0xD0000000  }
0x3: {  	_ = 	snop  }
0x4: {  	_ = 	snop  }
0x5: {  	_ = 	snop  }
0x6: {  	_ = 	snop  }
0x7: {  	_ = 	snop  }
__scs_overlays_trampoline_lowered:
0x8: {  	[smem:$0x3FA7] =	sst s0  }
0x9: {  	[smem:$0x3FA8] =	sst s1  }
0xa: {  	[smem:$0x3FA9] =	sst s2  }
0xb: {  	[smem:$0x3FAA] =	sst s3  }
0xc: {  	[smem:$0x3FAB] =	sst s4  }
0xd: {  	[smem:$0x3FAC] =	sst s5  }
0xe: {  	[smem:$0x3FAD] =	sst s6  }
0xf: {  	[smem:$0x3FAE] =	sst s7  }
0x10: {  	[smem:$0x3FAF] =	sst s8  }
0x11: {  	[smem:$0x3FB0] =	sst s9;
	s0 =	simm.s32 @!p0 $0x0  }
0x12: {  	s1 =	sld [smem:$0x3F96];
	s0 =	simm.s32 @p0 $0x1  }
0x13: {  	[smem:$0x3FB1] =	sst s0;
	s0 =	simm.s32 @!p1 $0x0  }
0x14: {  	s2 =	sld [smem:$0x3F95];
	s0 =	simm.s32 @p1 $0x1  }
0x15: {  	[smem:$0x3FB2] =	sst s0;
	s0 =	simm.s32 @!p2 $0x0  }
0x16: {  	s3 =	sld [smem:$0x3FDB];
	s0 =	simm.s32 @p2 $0x1  }
0x17: {  	s4 =	simm.s32 $0x1BF5;
	[smem:$0x3FB4] =	sst s0  }
0x18: {  	s0 =	sld [smem:$0x3F97];
	_ =	swait.ge [sflag:s4], $0x0  }
0x19: {  	s7 =	sld [smem:$0x3F98]  }
0x1a: {  	s8 =	sadd.s32 $0xFFFFE003, lr  }
0x1b: {  	s9 =	sadd.s32 $0xFFFFFEF7, lr;
	s5 =	simm.s32 $0xFFFFFFFF;
	p2 =	slt.u32 s8, $0xFFFFF086  }
0x1c: {  	p1 =	slt.u32 s9, $0xF7A;
	s5 =	simm.s32 @!p2 $0x0  }
0x1d: {  	s5 =	simm.s32 @p1 $0x1;
	p0 =	seq.s32 s7, s2  }
0x1e: {  	s7 =	smul.u32 @!p0 $0xF7A, s2;
	p2 =	seq.s32 @!p0 s5, $0x0  }
0x1f: {  	s9 =	smul.u32 $0xF7A, s1;
	s8 =	simm.s32 @!p0 $0x1BF5;
	p2 =	por !p2, p0  }
0x20: {  	[sflag:s8] =	ssyncset.s32 @!p0 $0xFFFFF086;
	s6 =	sadd.s32 @!p0 s3, s7;
	s7 =	simm.s32 @!p0 $0x108  }
0x21: {  	s3 =	sadd.s32 s3, s9;
	s6 =	sadd.s32 @!p0 $0x88, s6;
	s7 =	simm.s32 @p2 $0x1082  }
0x22: {  	[simem:s7], [sflag:s8] =	dma.local @!p0 [hbm:s6], $0xF7A  }
0x23: {  	s9 =	sor.u32 $0xD0000000, s2;
	s6 =	simm.s32 $0x108;
	_ =	swait.ge @!p0 [sflag:s8], $0x0  }
0x24: {  	s3 =	sadd.s32 $0x88, s3;
	s6 =	simm.s32 @!p1 $0x1082;
	[sflag:s4] =	ssyncset.s32 $0xFFFFF086  }
0x25: {  	[simem:s6], [sflag:s4] =	dma.local [hbm:s3], $0xF7A  }
0x26: {  	[smem:$0x3F98] =	sst s1;
	(tag) =	ssettag s2;
	_ =	strace s9  }
0x27: {  	s1 =	sld [smem:$0x3FA8]  }
0x28: {  	s2 =	sld [smem:$0x3FA9]  }
0x29: {  	s4 =	sld [smem:$0x3FAB]  }
0x2a: {  	p0 =	seq.s32 s5, $0x0;
	s5 =	sld [smem:$0x3FAC]  }
0x2b: {  	s6 =	sld [smem:$0x3FAD]  }
0x2c: {  	s7 =	sld [smem:$0x3FAE]  }
0x2d: {  	s3 =	simm.s32 $0x108;
	s8 =	sld [smem:$0x3FAF]  }
0x2e: {  	s3 =	simm.s32 @!p0 $0x1082;
	s9 =	sld [smem:$0x3FB0]  }
0x2f: {  	lr =	sadd.s32 s0, s3;
	s0 =	sld [smem:$0x3FA7]  }
0x30: {  	s3 =	sld [smem:$0x3FAA]  }
0x31: {  	[smem:$0x3FB3] =	sst s10  }
0x32: {  	s10 =	sld [smem:$0x3FB1];
	_ =	sdelay $0x3  }
0x33: {  	p0 =	seq.s32 s10, $0x1;
	s10 =	sld [smem:$0x3FB3];
	_ =	sdelay $0x3  }
0x34: {  	[smem:$0x3FB3] =	sst s10  }
0x35: {  	s10 =	sld [smem:$0x3FB2];
	_ =	sdelay $0x3  }
0x36: {  	p1 =	seq.s32 s10, $0x1;
	s10 =	sld [smem:$0x3FB3];
	_ =	sdelay $0x3  }
0x37: {  	[smem:$0x3FB3] =	sst s10  }
0x38: {  	s10 =	sld [smem:$0x3FB4]  }
0x39: {  	_ = 	snop;
	(pc) =	sbr.ind lr, $3  }
0x3a: {  	_ = 	snop  }
0x3b: {  	_ = 	snop  }
0x3c: {  	p2 =	seq.s32 s10, $0x1;
	s10 =	sld [smem:$0x3FB3]  }
0x3d: {  	_ =	shalt  }
0x3e: {  	_ =	shalt  }
0x3f: {  	_ =	shalt  }
0x40: {  	_ =	shalt  }
0x41: {  	_ =	shalt  }
0x42: {  	_ =	shalt  }
0x43: {  	_ =	shalt  }
0x44: {  	_ =	shalt  }
0x45: {  	_ =	shalt  }
0x46: {  	_ =	shalt  }
0x47: {  	_ =	shalt  }
0x48: {  	_ =	shalt  }
0x49: {  	_ =	shalt  }
0x4a: {  	_ =	shalt  }
0x4b: {  	_ =	shalt  }
0x4c: {  	_ =	shalt  }
0x4d: {  	_ =	shalt  }
0x4e: {  	_ =	shalt  }
0x4f: {  	_ =	shalt  }
0x50: {  	_ =	shalt  }
0x51: {  	_ =	shalt  }
0x52: {  	_ =	shalt  }
0x53: {  	_ =	shalt  }
0x54: {  	_ =	shalt  }
0x55: {  	_ =	shalt  }
0x56: {  	_ =	shalt  }
0x57: {  	_ =	shalt  }
0x58: {  	_ =	shalt  }
0x59: {  	_ =	shalt  }
0x5a: {  	_ =	shalt  }
0x5b: {  	_ =	shalt  }
0x5c: {  	_ =	shalt  }
0x5d: {  	_ =	shalt  }
0x5e: {  	_ =	shalt  }
0x5f: {  	_ =	shalt  }
0x60: {  	_ =	shalt  }
0x61: {  	_ =	shalt  }
0x62: {  	_ =	shalt  }
0x63: {  	_ =	shalt  }
0x64: {  	_ =	shalt  }
0x65: {  	_ =	shalt  }
0x66: {  	_ =	shalt  }
0x67: {  	_ =	shalt  }
0x68: {  	_ =	shalt  }
0x69: {  	_ =	shalt  }
0x6a: {  	_ =	shalt  }
0x6b: {  	_ =	shalt  }
0x6c: {  	_ =	shalt  }
0x6d: {  	_ =	shalt  }
0x6e: {  	_ =	shalt  }
0x6f: {  	_ =	shalt  }
0x70: {  	_ =	shalt  }
0x71: {  	_ =	shalt  }
0x72: {  	_ =	shalt  }
0x73: {  	_ =	shalt  }
0x74: {  	_ =	shalt  }
0x75: {  	_ =	shalt  }
0x76: {  	_ =	shalt  }
0x77: {  	_ =	shalt  }
0x78: {  	_ =	shalt  }
0x79: {  	_ =	shalt  }
0x7a: {  	_ =	shalt  }
0x7b: {  	_ =	shalt  }
0x7c: {  	_ =	shalt  }
0x7d: {  	_ =	shalt  }
0x7e: {  	_ =	shalt  }
0x7f: {  	_ =	shalt  }
0x80: {  	_ =	shalt  }
0x81: {  	_ =	shalt  }
0x82: {  	_ =	shalt  }
0x83: {  	_ =	shalt  }
0x84: {  	_ =	shalt  }
0x85: {  	_ =	shalt  }
0x86: {  	_ =	shalt  }
0x87: {  	_ =	shalt  }
.Lfunc_end0:
.L_simem_size_0:
called_computation_lowered:
.L_overlay_start_0:
0x88: {  	s2 =	sld [smem:$0x3FD9]  }
0x89: {  	s3 =	sld [smem:$0x3FFE];
	_ =	sdelay $0x1  }
0x8a: {  	s1 =	srdreg.scid  }
0x8b: {  	s0 =	sand.u32 $0x1, s1  }
0x8c: {  	s17 =	sshll.u32 s0, $0xA;
	s2 =	sadd.s32 s3, s2  }
0x8d: {  	s2 =	sadd.s32 s2, s17  }
0x8e: {  	[smem:$0x3FBF] =	sst s2  }
0x8f: {  	_ = 	snop  }
0x90: {  	s2 =	sld [smem:$0x3FC9];
	(tm) =	ssettm $0x1  }
0x91: {  	s18 =	sld [smem:$0x3FFB];
	_ =	sdelay $0x3  }
0x92: {  	_ =	strace s18  }
0x93: {  	s3 =	sld [smem:$0x3FFC];
	_ =	sdelay $0x3  }
0x94: {  	_ =	strace s3  }
0x95: {  	s3 =	sld [smem:$0x3FFD];
	_ =	sdelay $0x3  }
0x96: {  	_ =	strace s3  }
0x97: {  	_ =	strace $0x8FFFFFFF  }
0x98: {  	s19 =	sld [smem:$0x3FDB];
	_ =	sdelay $0x1  }
0x99: {  	s4 =	simm.s32 $_scs_section_size  }
0x9a: {  	s5 =	simm.s32 $_size__tile_overlayer_lowered;
	s6 =	simm.s32 $_tile_overlayer_lowered  }
0x9b: {  	s22 =	simm.s32 $0x1BFF;
	s21 =	sshll.u32 s6, $0x1;
	s3 =	sadd.s32 s4, s19  }
0x9c: {  	s7 =	simm.s32 $0x0;
	s20 =	sshll.u32 s5, $0x1;
	s5 =	sadd.s32 s21, s3  }
0x9d: {  	[timem:s7], [sflag:s22] =	dma.local [hbm:s5], s20  }
0x9e: {  	_ =	swait.ge [sflag:s22], s20  }
0x9f: {  	s4 =	ssub.s32 $0x0, s20;
	[sflag:s22] =	ssyncset.done $0x0  }
0xa0: {  	[sflag:s22] =	ssyncadd.s32 s4;
	_ =	sdelay $0x1  }
0xa1: {  	s23 =	simm.s32 $0x1B8B  }
0xa2: {  	_ =	swait.ge [sflag:s23], $0x1  }
0xa3: {  	[sflag:s23] =	ssyncset.done $0x0  }
0xa4: {  	s25 =	simm.s32 $0x1B8E;
	s24 =	sld [smem:$0x3FFE];
	[sflag:s23] =	ssyncadd.s32 $0xFFFFFFFF  }
0xa5: {  	s26 =	simm.s32 $execute0_lowered;
	[smem:$0x3FD2] =	sst s25  }
0xa6: {  	s5 =	sshll.u32 s26, $0x1;
	_ =	strace $0x80000046;
	[dreg:$0x1] =	wrdreg $0xFFFFFFFF  }
0xa7: {  	s28 =	simm.s32 $_size_execute0_lowered;
	s3 =	sadd.s32 s3, s5;
	[dreg:$0x0] =	wrdreg $0x0  }
0xa8: {  	s5 =	sshll.u32 s28, $0x1;
	[dreg:$0x2] =	wrdreg s3  }
0xa9: {  	[dreg:$0x3] =	wrdreg s5  }
0xaa: {  	[dreg:$0x4] =	wrdreg $0xC0  }
0xab: {  	_ =	task [dreg:s7], $0x5FFFF  }
0xac: {  	[dreg:$0x1] =	wrdreg $0xFFFFFFFF  }
0xad: {  	[dreg:$0x0] =	wrdreg $0x60  }
0xae: {  	[dreg:$0x2] =	wrdreg s2  }
0xaf: {  	[dreg:$0x3] =	wrdreg s24  }
0xb0: {  	[dreg:$0x4] =	wrdreg $0x9  }
0xb1: {  	_ =	task.clear_ibuf [dreg:s7], $0x5FFFF;
	_ =	strace $0x90000046  }
0xb2: {  	s29 =	simm.s32 $0x9;
	_ =	strace $0x80000048  }
0xb3: {  	_ =	swait.ge [sflag:s29], $0x1  }
0xb4: {  	[sflag:s29] =	ssyncadd.s32 $0xFFFFFFFF  }
0xb5: {  	_ =	strace $0x90000048  }
0xb6: {  	_ =	sfence  }
0xb7: {  	s30 =	sld [smem:$0x0];
	_ =	sdelay $0x2  }
0xb8: {  	s31 =	sshll.u32 s1, $0xD;
	s1 =	sshrl.u32 s1, $0x2  }
0xb9: {  	s3 =	sand.u32 $0x4000, s31;
	s1 =	sadd.s32 s1, s30  }
0xba: {  	s0 =	sor.u32 s3, s0;
	s1 =	sshll.u32 s1, $0x11  }
0xbb: {  	s0 =	sor.u32 s1, s0  }
0xbc: {  	s0 =	sadd.s32 $0x8F2B, s0  }
0xbd: {  	[sflag:s0] =	ssyncadd.remote.s32 $0x1  }
0xbe: {  	_ =	sfence.sel $0xFFFF  }
0xbf: {  	[dreg:$0x0] =	wrdreg $0xFFFFFFFF;
	(pc) =	sbr.abs _section_cstart, $3  }
0xc0: {  	[dreg:$0x1] =	wrdreg $0xFFFFFFFF  }
0xc1: {  	_ =	task.clear_ibuf [dreg:s7], $0x2FFFF;
	_ =	strace $0x9FFFFFFF  }
0xc2: {  	(tm) =	ssettm $0x7FFFFFFF  }
0xc3: {  	_ =	shalt  }
tec
execute0_lowered:
.L_overlay_start_1:
0x0: {  	(tag) =	ssettag $0x1  }
0x1: {  	s0 =	rddreg [dreg:$0x0]  }
0x2: {  	s1 =	rddreg [dreg:$0x1]  }
0x3: {  	s2 =	srdreg.scid;
	s3 =	stileid.u32  }
0x4: {  	s26 =	simm.s32 $0x80;
	s8 =	simm.s32 $0x100;
	s11 =	simm.s32 $0x1900  }
0x5: {  	s12 =	simm.s32 $0x2100;
	s13 =	simm.s32 $0x2900;
	s14 =	simm.s32 $0x3100  }
0x6: {  	s15 =	simm.s32 $0x3900;
	s16 =	simm.s32 $0x4100;
	s17 =	simm.s32 $0x4900  }
0x7: {  	s18 =	simm.s32 $0x5100;
	s19 =	simm.s32 $0x5900;
	s20 =	simm.s32 $0x6100  }
0x8: {  	s21 =	simm.s32 $0x6900;
	s22 =	simm.s32 $0x7100;
	s23 =	simm.s32 $0x7900  }
0x9: {  	s28 =	simm.s32 $0x9900;
	s29 =	simm.s32 $0xA100;
	s30 =	simm.s32 $0xA900  }
0xa: {  	s31 =	simm.s32 $0xB100;
	s4 =	sand.u32 $0x1, s2;
	s2 =	simm.s32 $0x0  }
0xb: {  	s3 =	sshll.u32 s3, $0x4;
	s5 =	sshll.u32 s4, $0x3;
	[smem:$0x7FF] =	sst s2  }
0xc: {  	s4 =	ssub.s32 $0x2, s4;
	s5 =	sor.u32 s5, s3;
	_ =	strace $0x80000047  }
0xd: {  	s3 =	sadd.s32 $0x1600, s1;
	s24 =	sshrl.u32 s4, $0x1;
	[dreg:$0x6] =	wrdreg s26  }
0xe: {  	s26 =	simm.s32 $0x9100;
	s6 =	sadd.s32 s5, s1;
	s5 =	smul.u32 $0x300, s5  }
0xf: {  	s25 =	ssub.s32 s4, s24;
	s4 =	sadd.s32 $0x1700, s1;
	s7 =	sadd.s32 $0x1200, s6  }
0x10: {  	s24 =	simm.s32 $0x8100;
	s6 =	sadd.s32 $0x1400, s6;
	[dreg:$0x3] =	wrdreg s7  }
0x11: {  	v2 =	vlaneseq.u32;
	[dreg:$0x4] =	wrdreg s6;
	s0 =	sadd.s32 s0, s5;
	s5 =	sadd.s32 $0x1800, s1  }
0x12: {  	vm0 =	vmmov $0xffff;
	v1 =	vshrl.u32 v2, $0x3;
	s6 =	smax.u32 s25, $0x1;
	s7 =	simm.s32 $0x2;
	s25 =	simm.s32 $0x8900  }
0x13: {  	v0 =	vand.u32 $0x7, v2;
	v2 =	vor.u32 $0x8, v2;
	v1 =	vmul.u32 $0x8, v1;
	s1 =	simm.s32 $0x1;
	[dreg:$0x5] =	wrdreg s0;
	s0 =	simm.s32 $0xB900  }
.LBB2_1:
0x14: {  	s9 =	rddreg [dreg:$0x3]  }
0x15: {  	[tilespmem:s2], [sflag:$0x2] =	stream.linear.gather [hbm4b:s9+s2], $0x40, $0x38;
	[tilespmem:$0xC100] =	vst v63  }
0x16: {  	_ =	swait.ge [sflag:s7], $0x40  }
0x17: {  	s9 =	rddreg [dreg:$0x4];
	[sflag:s7] =	ssyncset.done $0x0  }
0x18: {  	s10 =	rddreg [dreg:$0x6];
	[sflag:s7] =	ssyncadd.s32 $0xFFFFFFC0  }
0x19: {  	[tilespmem:s10], [sflag:$0x2] =	stream.linear.gather [hbm4b:s9+s2], $0x40, $0x38;
	[tilespmem:$0xC100] =	vst v63  }
0x1a: {  	_ =	swait.ge [sflag:s7], $0x40  }
0x1b: {  	[sflag:s7] =	ssyncset.done $0x0  }
0x1c: {  	s10 =	rddreg [dreg:$0x5];
	[sflag:s7] =	ssyncadd.s32 $0xFFFFFFC0  }
0x1d: {  	[tilespmem:s8], [sflag:$0x2] =	stream.linear.gather [hbm4b:s10+s2], $0xC000, $0x38;
	[tilespmem:$0xC100] =	vst v63  }
0x1e: {  	_ =	swait.ge [sflag:s7], $0xC000  }
0x1f: {  	[sflag:s7] =	ssyncset.done $0x0  }
0x20: {  	[sflag:s7] =	ssyncadd.s32 $0xFFFF4000  }
0x21: {  	v3 =	vld [tilespmem:$0x0];
	_ =	sdelay $0x4  }
0x22: {  	v4 =	vshrl.u32 v3, $0x3  }
0x23: {  	v4 =	vmul.u32 $0x30, v4  }
0x24: {  	v3 =	vand.u32 $0x7, v3  }
0x25: {  	v3 =	vor.u32 v3, v4  }
0x26: {  	v4 =	vperm.xlane v3, v0;
	_ =	sdelay $0x1  }
0x27: {  	v4 =	vadd.s32 v1, v4;
	_ =	sdelay $0x3  }
0x28: {  	v3 =	vperm.xlane v3, v2  }
0x29: {  	[hbm4b:s3+s2] =	stream.indirect_vreg.scatter [tilespmem:s8], [sflag:$0x1], $0x80, v4, vm0, $0xb8;
	[tilespmem:$0xC100] =	vst v63  }
0x2a: {  	s9 =	simm.s32 $0x900;
	v3 =	vadd.s32 v1, v3  }
0x2b: {  	[hbm4b:s4+s2] =	stream.indirect_vreg.scatter [tilespmem:s9], [sflag:$0x1], $0x80, v4, vm0, $0xb8;
	[tilespmem:$0xC100] =	vst v63  }
0x2c: {  	s10 =	simm.s32 $0x1100  }
0x2d: {  	[hbm4b:s5+s2] =	stream.indirect_vreg.scatter [tilespmem:s10], [sflag:$0x1], $0x80, v4, vm0, $0xb8;
	[tilespmem:$0xC100] =	vst v63  }
0x2e: {  	_ = 	snop  }
0x2f: {  	[hbm4b:s3+s2] =	stream.indirect_vreg.scatter [tilespmem:s11], [sflag:$0x1], $0x80, v3, vm0, $0xb8;
	[tilespmem:$0xC100] =	vst v63  }
0x30: {  	_ = 	snop  }
0x31: {  	[hbm4b:s4+s2] =	stream.indirect_vreg.scatter [tilespmem:s12], [sflag:$0x1], $0x80, v3, vm0, $0xb8;
	[tilespmem:$0xC100] =	vst v63  }
0x32: {  	_ = 	snop  }
0x33: {  	[hbm4b:s5+s2] =	stream.indirect_vreg.scatter [tilespmem:s13], [sflag:$0x1], $0x80, v3, vm0, $0xb8;
	[tilespmem:$0xC100] =	vst v63  }
0x34: {  	v3 =	vld [tilespmem:$0x10];
	_ =	sdelay $0x4  }
0x35: {  	v57 =	vshrl.u32 v3, $0x3  }
0x36: {  	v4 =	vmul.u32 $0x30, v57  }
0x37: {  	v3 =	vand.u32 $0x7, v3  }
0x38: {  	v3 =	vor.u32 v3, v4  }
0x39: {  	v4 =	vperm.xlane v3, v0;
	_ =	sdelay $0x1  }
0x3a: {  	v4 =	vadd.s32 v1, v4;
	_ =	sdelay $0x3  }
0x3b: {  	v3 =	vperm.xlane v3, v2  }
0x3c: {  	[hbm4b:s3+s2] =	stream.indirect_vreg.scatter [tilespmem:s14], [sflag:$0x1], $0x80, v4, vm0, $0xb8;
	[tilespmem:$0xC100] =	vst v63  }
0x3d: {  	v3 =	vadd.s32 v1, v3  }
0x3e: {  	[hbm4b:s4+s2] =	stream.indirect_vreg.scatter [tilespmem:s15], [sflag:$0x1], $0x80, v4, vm0, $0xb8;
	[tilespmem:$0xC100] =	vst v63  }
0x3f: {  	_ = 	snop  }
0x40: {  	[hbm4b:s5+s2] =	stream.indirect_vreg.scatter [tilespmem:s16], [sflag:$0x1], $0x80, v4, vm0, $0xb8;
	[tilespmem:$0xC100] =	vst v63  }
0x41: {  	_ = 	snop  }
0x42: {  	[hbm4b:s3+s2] =	stream.indirect_vreg.scatter [tilespmem:s17], [sflag:$0x1], $0x80, v3, vm0, $0xb8;
	[tilespmem:$0xC100] =	vst v63  }
0x43: {  	_ = 	snop  }
0x44: {  	[hbm4b:s4+s2] =	stream.indirect_vreg.scatter [tilespmem:s18], [sflag:$0x1], $0x80, v3, vm0, $0xb8;
	[tilespmem:$0xC100] =	vst v63  }
0x45: {  	_ = 	snop  }
0x46: {  	[hbm4b:s5+s2] =	stream.indirect_vreg.scatter [tilespmem:s19], [sflag:$0x1], $0x80, v3, vm0, $0xb8;
	[tilespmem:$0xC100] =	vst v63  }
0x47: {  	v3 =	vld [tilespmem:$0x20];
	_ =	sdelay $0x4  }
0x48: {  	v58 =	vshrl.u32 v3, $0x3  }
0x49: {  	v4 =	vmul.u32 $0x30, v58  }
0x4a: {  	v3 =	vand.u32 $0x7, v3  }
0x4b: {  	v3 =	vor.u32 v3, v4  }
0x4c: {  	v4 =	vperm.xlane v3, v0;
	_ =	sdelay $0x1  }
0x4d: {  	v4 =	vadd.s32 v1, v4;
	_ =	sdelay $0x3  }
0x4e: {  	v3 =	vperm.xlane v3, v2  }
0x4f: {  	[hbm4b:s3+s2] =	stream.indirect_vreg.scatter [tilespmem:s20], [sflag:$0x1], $0x80, v4, vm0, $0xb8;
	[tilespmem:$0xC100] =	vst v63  }
0x50: {  	v3 =	vadd.s32 v1, v3  }
0x51: {  	[hbm4b:s4+s2] =	stream.indirect_vreg.scatter [tilespmem:s21], [sflag:$0x1], $0x80, v4, vm0, $0xb8;
	[tilespmem:$0xC100] =	vst v63  }
0x52: {  	_ = 	snop  }
0x53: {  	[hbm4b:s5+s2] =	stream.indirect_vreg.scatter [tilespmem:s22], [sflag:$0x1], $0x80, v4, vm0, $0xb8;
	[tilespmem:$0xC100] =	vst v63  }
0x54: {  	_ = 	snop  }
0x55: {  	[hbm4b:s3+s2] =	stream.indirect_vreg.scatter [tilespmem:s23], [sflag:$0x1], $0x80, v3, vm0, $0xb8;
	[tilespmem:$0xC100] =	vst v63  }
0x56: {  	_ = 	snop  }
0x57: {  	[hbm4b:s4+s2] =	stream.indirect_vreg.scatter [tilespmem:s24], [sflag:$0x1], $0x80, v3, vm0, $0xb8;
	[tilespmem:$0xC100] =	vst v63  }
0x58: {  	_ = 	snop  }
0x59: {  	[hbm4b:s5+s2] =	stream.indirect_vreg.scatter [tilespmem:s25], [sflag:$0x1], $0x80, v3, vm0, $0xb8;
	[tilespmem:$0xC100] =	vst v63  }
0x5a: {  	v3 =	vld [tilespmem:$0x30];
	_ =	sdelay $0x4  }
0x5b: {  	v59 =	vshrl.u32 v3, $0x3  }
0x5c: {  	v4 =	vmul.u32 $0x30, v59  }
0x5d: {  	v3 =	vand.u32 $0x7, v3  }
0x5e: {  	v3 =	vor.u32 v3, v4  }
0x5f: {  	v4 =	vperm.xlane v3, v0;
	_ =	sdelay $0x1  }
0x60: {  	v4 =	vadd.s32 v1, v4;
	_ =	sdelay $0x3  }
0x61: {  	v3 =	vperm.xlane v3, v2  }
0x62: {  	[hbm4b:s3+s2] =	stream.indirect_vreg.scatter [tilespmem:s26], [sflag:$0x1], $0x80, v4, vm0, $0xb8;
	[tilespmem:$0xC100] =	vst v63  }
0x63: {  	v3 =	vadd.s32 v1, v3  }
0x64: {  	[hbm4b:s4+s2] =	stream.indirect_vreg.scatter [tilespmem:s28], [sflag:$0x1], $0x80, v4, vm0, $0xb8;
	[tilespmem:$0xC100] =	vst v63  }
0x65: {  	_ = 	snop  }
0x66: {  	[hbm4b:s5+s2] =	stream.indirect_vreg.scatter [tilespmem:s29], [sflag:$0x1], $0x80, v4, vm0, $0xb8;
	[tilespmem:$0xC100] =	vst v63  }
0x67: {  	_ = 	snop  }
0x68: {  	[hbm4b:s3+s2] =	stream.indirect_vreg.scatter [tilespmem:s30], [sflag:$0x1], $0x80, v3, vm0, $0xb8;
	[tilespmem:$0xC100] =	vst v63  }
0x69: {  	_ = 	snop  }
0x6a: {  	[hbm4b:s4+s2] =	stream.indirect_vreg.scatter [tilespmem:s31], [sflag:$0x1], $0x80, v3, vm0, $0xb8;
	[tilespmem:$0xC100] =	vst v63  }
0x6b: {  	_ = 	snop  }
0x6c: {  	[hbm4b:s5+s2] =	stream.indirect_vreg.scatter [tilespmem:s0], [sflag:$0x1], $0x80, v3, vm0, $0xb8;
	[tilespmem:$0xC100] =	vst v63  }
0x6d: {  	v3 =	vld [tilespmem:$0x80];
	_ =	sdelay $0x4  }
0x6e: {  	v60 =	vshrl.u32 v3, $0x3  }
0x6f: {  	v4 =	vmul.u32 $0x30, v60  }
0x70: {  	v3 =	vand.u32 $0x7, v3  }
0x71: {  	v3 =	vor.u32 v3, v4  }
0x72: {  	v4 =	vperm.xlane v3, v0;
	_ =	sdelay $0x1  }
0x73: {  	v4 =	vadd.s32 v1, v4;
	_ =	sdelay $0x3  }
0x74: {  	v3 =	vperm.xlane v3, v2  }
0x75: {  	[hbm4b:s3+s2] =	stream.indirect_vreg.scatter [tilespmem:s8], [sflag:$0x1], $0x80, v4, vm0, $0xb8;
	[tilespmem:$0xC100] =	vst v63  }
0x76: {  	v3 =	vadd.s32 v1, v3  }
0x77: {  	[hbm4b:s4+s2] =	stream.indirect_vreg.scatter [tilespmem:s9], [sflag:$0x1], $0x80, v4, vm0, $0xb8;
	[tilespmem:$0xC100] =	vst v63  }
0x78: {  	_ = 	snop  }
0x79: {  	[hbm4b:s5+s2] =	stream.indirect_vreg.scatter [tilespmem:s10], [sflag:$0x1], $0x80, v4, vm0, $0xb8;
	[tilespmem:$0xC100] =	vst v63  }
0x7a: {  	_ = 	snop  }
0x7b: {  	[hbm4b:s3+s2] =	stream.indirect_vreg.scatter [tilespmem:s11], [sflag:$0x1], $0x80, v3, vm0, $0xb8;
	[tilespmem:$0xC100] =	vst v63  }
0x7c: {  	_ = 	snop  }
0x7d: {  	[hbm4b:s4+s2] =	stream.indirect_vreg.scatter [tilespmem:s12], [sflag:$0x1], $0x80, v3, vm0, $0xb8;
	[tilespmem:$0xC100] =	vst v63  }
0x7e: {  	_ = 	snop  }
0x7f: {  	[hbm4b:s5+s2] =	stream.indirect_vreg.scatter [tilespmem:s13], [sflag:$0x1], $0x80, v3, vm0, $0xb8;
	[tilespmem:$0xC100] =	vst v63  }
0x80: {  	v3 =	vld [tilespmem:$0x90];
	_ =	sdelay $0x4  }
0x81: {  	v61 =	vshrl.u32 v3, $0x3  }
0x82: {  	v4 =	vmul.u32 $0x30, v61  }
0x83: {  	v3 =	vand.u32 $0x7, v3  }
0x84: {  	v3 =	vor.u32 v3, v4  }
0x85: {  	v4 =	vperm.xlane v3, v0;
	_ =	sdelay $0x1  }
0x86: {  	v4 =	vadd.s32 v1, v4;
	_ =	sdelay $0x3  }
0x87: {  	v3 =	vperm.xlane v3, v2  }
0x88: {  	[hbm4b:s3+s2] =	stream.indirect_vreg.scatter [tilespmem:s14], [sflag:$0x1], $0x80, v4, vm0, $0xb8;
	[tilespmem:$0xC100] =	vst v63  }
0x89: {  	v3 =	vadd.s32 v1, v3  }
0x8a: {  	[hbm4b:s4+s2] =	stream.indirect_vreg.scatter [tilespmem:s15], [sflag:$0x1], $0x80, v4, vm0, $0xb8;
	[tilespmem:$0xC100] =	vst v63  }
0x8b: {  	_ = 	snop  }
0x8c: {  	[hbm4b:s5+s2] =	stream.indirect_vreg.scatter [tilespmem:s16], [sflag:$0x1], $0x80, v4, vm0, $0xb8;
	[tilespmem:$0xC100] =	vst v63  }
0x8d: {  	_ = 	snop  }
0x8e: {  	[hbm4b:s3+s2] =	stream.indirect_vreg.scatter [tilespmem:s17], [sflag:$0x1], $0x80, v3, vm0, $0xb8;
	[tilespmem:$0xC100] =	vst v63  }
0x8f: {  	_ = 	snop  }
0x90: {  	[hbm4b:s4+s2] =	stream.indirect_vreg.scatter [tilespmem:s18], [sflag:$0x1], $0x80, v3, vm0, $0xb8;
	[tilespmem:$0xC100] =	vst v63  }
0x91: {  	_ = 	snop  }
0x92: {  	[hbm4b:s5+s2] =	stream.indirect_vreg.scatter [tilespmem:s19], [sflag:$0x1], $0x80, v3, vm0, $0xb8;
	[tilespmem:$0xC100] =	vst v63  }
0x93: {  	v3 =	vld [tilespmem:$0xA0];
	_ =	sdelay $0x4  }
0x94: {  	v62 =	vshrl.u32 v3, $0x3  }
0x95: {  	v4 =	vmul.u32 $0x30, v62  }
0x96: {  	v3 =	vand.u32 $0x7, v3  }
0x97: {  	v3 =	vor.u32 v3, v4  }
0x98: {  	v4 =	vperm.xlane v3, v0;
	_ =	sdelay $0x1  }
0x99: {  	v4 =	vadd.s32 v1, v4;
	_ =	sdelay $0x3  }
0x9a: {  	v3 =	vperm.xlane v3, v2  }
0x9b: {  	[hbm4b:s3+s2] =	stream.indirect_vreg.scatter [tilespmem:s20], [sflag:$0x1], $0x80, v4, vm0, $0xb8;
	[tilespmem:$0xC100] =	vst v63  }
0x9c: {  	v3 =	vadd.s32 v1, v3  }
0x9d: {  	[hbm4b:s4+s2] =	stream.indirect_vreg.scatter [tilespmem:s21], [sflag:$0x1], $0x80, v4, vm0, $0xb8;
	[tilespmem:$0xC100] =	vst v63  }
0x9e: {  	_ = 	snop  }
0x9f: {  	[hbm4b:s5+s2] =	stream.indirect_vreg.scatter [tilespmem:s22], [sflag:$0x1], $0x80, v4, vm0, $0xb8;
	[tilespmem:$0xC100] =	vst v63  }
0xa0: {  	_ = 	snop  }
0xa1: {  	[hbm4b:s3+s2] =	stream.indirect_vreg.scatter [tilespmem:s23], [sflag:$0x1], $0x80, v3, vm0, $0xb8;
	[tilespmem:$0xC100] =	vst v63  }
0xa2: {  	_ = 	snop  }
0xa3: {  	[hbm4b:s4+s2] =	stream.indirect_vreg.scatter [tilespmem:s24], [sflag:$0x1], $0x80, v3, vm0, $0xb8;
	[tilespmem:$0xC100] =	vst v63  }
0xa4: {  	_ = 	snop  }
0xa5: {  	[hbm4b:s5+s2] =	stream.indirect_vreg.scatter [tilespmem:s25], [sflag:$0x1], $0x80, v3, vm0, $0xb8;
	[tilespmem:$0xC100] =	vst v63  }
0xa6: {  	v3 =	vld [tilespmem:$0xB0];
	_ =	sdelay $0x4  }
0xa7: {  	v63 =	vshrl.u32 v3, $0x3  }
0xa8: {  	v4 =	vmul.u32 $0x30, v63  }
0xa9: {  	v3 =	vand.u32 $0x7, v3  }
0xaa: {  	v3 =	vor.u32 v3, v4  }
0xab: {  	v4 =	vperm.xlane v3, v0;
	_ =	sdelay $0x1  }
0xac: {  	v4 =	vadd.s32 v1, v4;
	_ =	sdelay $0x3  }
0xad: {  	v3 =	vperm.xlane v3, v2  }
0xae: {  	[hbm4b:s3+s2] =	stream.indirect_vreg.scatter [tilespmem:s26], [sflag:$0x1], $0x80, v4, vm0, $0xb8;
	[tilespmem:$0xC100] =	vst v63  }
0xaf: {  	v3 =	vadd.s32 v1, v3  }
0xb0: {  	[hbm4b:s4+s2] =	stream.indirect_vreg.scatter [tilespmem:s28], [sflag:$0x1], $0x80, v4, vm0, $0xb8;
	[tilespmem:$0xC100] =	vst v63  }
0xb1: {  	_ = 	snop  }
0xb2: {  	[hbm4b:s5+s2] =	stream.indirect_vreg.scatter [tilespmem:s29], [sflag:$0x1], $0x80, v4, vm0, $0xb8;
	[tilespmem:$0xC100] =	vst v63  }
0xb3: {  	_ = 	snop  }
0xb4: {  	[hbm4b:s3+s2] =	stream.indirect_vreg.scatter [tilespmem:s30], [sflag:$0x1], $0x80, v3, vm0, $0xb8;
	[tilespmem:$0xC100] =	vst v63  }
0xb5: {  	_ = 	snop  }
0xb6: {  	[hbm4b:s4+s2] =	stream.indirect_vreg.scatter [tilespmem:s31], [sflag:$0x1], $0x80, v3, vm0, $0xb8;
	[tilespmem:$0xC100] =	vst v63  }
0xb7: {  	_ = 	snop  }
0xb8: {  	[hbm4b:s5+s2] =	stream.indirect_vreg.scatter [tilespmem:s0], [sflag:$0x1], $0x80, v3, vm0, $0xb8;
	[tilespmem:$0xC100] =	vst v63  }
0xb9: {  	p0 =	sne.s32 s6, $0x1;
	_ =	swait.ge [sflag:s1], $0xC000  }
.Ltmp0:
0xba: {  	[sflag:s1] =	ssyncset.done $0x0;
	(pc) =	sbr.rel @p0 .LBB2_1-.Ltmp0, $4  }
0xbb: {  	[sflag:s1] =	ssyncadd.s32 $0xFFFF4000  }
0xbc: {  	_ =	swait.ge [sflag:s1], $0xC000  }
0xbd: {  	[sflag:s1] =	ssyncset.done $0x0  }
0xbe: {  	s6 =	sadd.s32 $0xFFFFFFFF, s6;
	[sflag:s1] =	ssyncadd.s32 $0xFFFF4000  }
0xbf: {  	_ =	sfence.sel $0x180000  }
0xc0: {  	[bflag:$0x0] =	sbarrier.arrive $0xFFFF  }
0xc1: {  	_ =	strace $0x90000047  }
0xc2: {  	s0 =	stileid.u32;
	[bflag:$0x2] =	sbarrier.arrive $0xFFFF  }
0xc3: {  	p0 =	sne.s32 s0, $0x0;
	s0 =	rddreg [dreg:$0x2]  }
0xc4: {  	s0 =	sadd.s32 @!p0 $0x100000, s0  }
0xc5: {  	[sflag:s0] =	ssyncadd.tile.s32 @!p0 $0x1;
	_ =	shalt  }
.Lfunc_end2:
_tile_overlayer_lowered:
.L_overlay_start_2:
0xc6: {  	(tag) =	ssettag $0x2  }
0xc7: {  	s0 =	rddreg [dreg:$0x0];
	s2 =	stileid.u32  }
0xc8: {  	s1 =	rddreg [dreg:$0x1];
	p0 =	sne.s32 s2, $0x0  }
0xc9: {  	s3 =	rddreg [dreg:$0x2];
	[bflag:$0x3] =	sbarrier.arrive $0xFFFF;
	s2 =	simm.s32 @!p0 $0x1C02  }
0xca: {  	[timem:s3], [sflag:s2] =	dma.local @!p0 [hbm:s0], s1  }
0xcb: {  	s0 =	simm.s32 @!p0 $0x2  }
0xcc: {  	_ =	swait.ge @!p0 [sflag:s0], s1  }
0xcd: {  	s1 =	ssub.s32 @!p0 $0x0, s1;
	[sflag:s0] =	ssyncset.done @!p0 $0x0  }
0xce: {  	[sflag:s0] =	ssyncadd.s32 @!p0 s1  }
0xcf: {  	[bflag:$0x3] =	sbarrier.arrive $0xFFFF  }
0xd0: {  	_ =	shalt  }

</sc_bundles>
